<compile_context>
chip_gen: v7x
topology: tpu7x:2x2x1
jax: 0.10.2.dev20260603
libtpu: 0.0.44.dev20260713+nightly
codegen_flags: <defaults>
</compile_context>

<pallas_src>
import functools

import jax
import jax.numpy as jnp
from jax import lax
from jax.experimental import pallas as pl
from jax.experimental.pallas import tpu as pltpu
from jax.experimental.pallas import tpu_sc as plsc

NC = 2
NS = 16
L = 16
NW = NC * NS

_MESH = dict(core_axis_name="c", subcore_axis_name="s",
             num_cores=NC, num_subcores=NS)
_SC_PARAMS = pltpu.CompilerParams(needs_layout_passes=False)


def _wid():
    return lax.axis_index("c") * NS + lax.axis_index("s")


def _make_deg(ET, NP):
    EW = ET // NW
    steps = EW // L

    @functools.partial(
        pl.kernel,
        out_type=jax.ShapeDtypeStruct((NW, NP), jnp.float32),
        mesh=plsc.VectorSubcoreMesh(**_MESH),
        compiler_params=_SC_PARAMS,
        scratch_types=[
            pltpu.VMEM((EW,), jnp.int32),
            pltpu.VMEM((NP,), jnp.float32),
            pltpu.SemaphoreType.DMA,
        ],
    )
    def deg_kernel(sd_hbm, out_hbm, sdv, acc, sem):
        w = _wid()
        sl_edges = pl.ds(w * EW, EW)
        one = jnp.ones((L,), jnp.float32)
        cps = [
            pltpu.async_copy(sd_hbm.at[sl_edges], sdv, sem),
        ]
        zero = jnp.zeros((L,), jnp.float32)

        @plsc.parallel_loop(0, NP // L, unroll=8)
        def _(i):
            acc[pl.ds(i * L, L)] = zero

        for cp in cps:
            cp.wait()

        @plsc.parallel_loop(0, steps, unroll=4)
        def _(i):
            sl = pl.ds(i * L, L)
            plsc.addupdate_scatter(acc, [sdv[sl] & 16383], one)

        pltpu.async_copy(acc, out_hbm.at[w], sem).wait()

    return deg_kernel


def _make_agg_norm(ET, NP, K):
    EW = ET // NW
    steps = EW // L
    NPK = NP * K

    @functools.partial(
        pl.kernel,
        out_type=(jax.ShapeDtypeStruct((NW, NPK), jnp.float32),
                  jax.ShapeDtypeStruct((ET,), jnp.float32)),
        mesh=plsc.VectorSubcoreMesh(**_MESH),
        compiler_params=_SC_PARAMS,
        scratch_types=[
            pltpu.VMEM((NPK,), jnp.float32),
            pltpu.VMEM((EW,), jnp.int32),
            pltpu.VMEM((EW,), jnp.float32),
            pltpu.VMEM((NP,), jnp.float32),
            pltpu.VMEM((NPK,), jnp.float32),
            pltpu.SemaphoreType.DMA,
        ],
    )
    def agg_norm_kernel(h_hbm, sd_hbm, dinv_hbm,
                        out_hbm, nrm_hbm, hv, sdv, wv, dv, acc, sem):
        w = _wid()
        sl_edges = pl.ds(w * EW, EW)
        cps = [
            pltpu.async_copy(h_hbm, hv, sem),
            pltpu.async_copy(sd_hbm.at[sl_edges], sdv, sem),
            pltpu.async_copy(dinv_hbm, dv, sem),
        ]
        zero = jnp.zeros((L,), jnp.float32)

        @plsc.parallel_loop(0, NPK // L, unroll=8)
        def _(i):
            acc[pl.ds(i * L, L)] = zero

        for cp in cps:
            cp.wait()

        @plsc.parallel_loop(0, steps, unroll=4)
        def _(i):
            sl = pl.ds(i * L, L)
            sd16 = sdv[sl]
            s16 = lax.shift_right_logical(sd16, 14)
            d16 = sd16 & 16383
            a = plsc.load_gather(dv, [s16])
            b = plsc.load_gather(dv, [d16])
            n16 = a * b
            wv[sl] = n16
            for k in range(K):
                g = plsc.load_gather(hv, [s16 + (k * NP)])
                plsc.addupdate_scatter(acc, [d16 + (k * NP)], g * n16)

        cp = pltpu.async_copy(wv, nrm_hbm.at[sl_edges], sem)
        pltpu.async_copy(acc, out_hbm.at[w], sem).wait()
        cp.wait()

    return agg_norm_kernel


def _make_agg(ET, NP, K):
    EW = ET // NW
    steps = EW // L
    NPK = NP * K

    @functools.partial(
        pl.kernel,
        out_type=jax.ShapeDtypeStruct((NW, NPK), jnp.float32),
        mesh=plsc.VectorSubcoreMesh(**_MESH),
        compiler_params=_SC_PARAMS,
        scratch_types=[
            pltpu.VMEM((NPK,), jnp.float32),
            pltpu.VMEM((EW,), jnp.int32),
            pltpu.VMEM((EW,), jnp.float32),
            pltpu.VMEM((NPK,), jnp.float32),
            pltpu.SemaphoreType.DMA,
        ],
    )
    def agg_kernel(h_hbm, sd_hbm, nrm_hbm, out_hbm,
                   hv, sdv, nrmv, acc, sem):
        w = _wid()
        sl_edges = pl.ds(w * EW, EW)
        cps = [
            pltpu.async_copy(h_hbm, hv, sem),
            pltpu.async_copy(sd_hbm.at[sl_edges], sdv, sem),
            pltpu.async_copy(nrm_hbm.at[sl_edges], nrmv, sem),
        ]
        zero = jnp.zeros((L,), jnp.float32)

        @plsc.parallel_loop(0, NPK // L, unroll=8)
        def _(i):
            acc[pl.ds(i * L, L)] = zero

        for cp in cps:
            cp.wait()

        @plsc.parallel_loop(0, steps, unroll=4)
        def _(i):
            sl = pl.ds(i * L, L)
            sd16 = sdv[sl]
            s16 = lax.shift_right_logical(sd16, 14)
            d16 = sd16 & 16383
            n16 = nrmv[sl]
            for k in range(K):
                g = plsc.load_gather(hv, [s16 + (k * NP)])
                plsc.addupdate_scatter(acc, [d16 + (k * NP)], g * n16)

        pltpu.async_copy(acc, out_hbm.at[w], sem).wait()

    return agg_kernel


def _tc_prep(xT, W1T, degp, NP):
    def body(x_ref, w_ref, degp_ref, hp_ref, dinv_ref):
        deg = lax.max(jnp.sum(degp_ref[...], axis=0), 1.0)
        dinv_ref[...] = lax.rsqrt(deg)
        hp_ref[...] = jnp.dot(w_ref[...], x_ref[...],
                              preferred_element_type=jnp.float32)

    return pl.pallas_call(
        body,
        out_shape=(
            jax.ShapeDtypeStruct((W1T.shape[0], NP), jnp.float32),
            jax.ShapeDtypeStruct((NP,), jnp.float32),
        ),
    )(xT, W1T, degp)


def _tc_layer(p, b, WnT, NP, K, last=False, bn=None):
    if last:
        def body(p_ref, b_ref, w_ref, bn_ref, o_ref, h_ref):
            agg = jnp.sum(p_ref[...], axis=0) + b_ref[...]
            h = jnp.tanh(agg)
            h_ref[...] = h
            o_ref[...] = jnp.dot(w_ref[...], h,
                                 preferred_element_type=jnp.float32) + bn_ref[...]

        return pl.pallas_call(
            body,
            out_shape=(
                jax.ShapeDtypeStruct((WnT.shape[0], NP), jnp.float32),
                jax.ShapeDtypeStruct((K, NP), jnp.float32),
            ),
        )(p, b, WnT, bn)

    def body(p_ref, b_ref, w_ref, o_ref):
        agg = jnp.sum(p_ref[...], axis=0) + b_ref[...]
        h = jnp.tanh(agg)
        o_ref[...] = jnp.dot(w_ref[...], h,
                             preferred_element_type=jnp.float32)

    return pl.pallas_call(
        body,
        out_shape=jax.ShapeDtypeStruct((WnT.shape[0], NP), jnp.float32),
    )(p, b, WnT)


def kernel(x, edge_index, W1, b1, W2, b2, W3, b3, Wc, bc):
    N, D = x.shape
    E = edge_index.shape[1]

    NP = ((N + 511) // 512) * 512
    ET = (((E + N) + 511) // 512) * 512

    xT = jnp.zeros((D, NP), x.dtype).at[:, :N].set(x.T)
    loop = jnp.arange(N, dtype=jnp.int32)
    pad = jnp.full((ET - E - N,), N, jnp.int32)
    srcf = jnp.concatenate([edge_index[0], loop, pad])
    dstf = jnp.concatenate([edge_index[1], loop, pad])
    sdf = srcf * 16384 + dstf

    degp = _make_deg(ET, NP)(sdf)
    hp1, dinv = _tc_prep(xT, W1.T, degp, NP)

    K1 = W1.shape[1]
    K2 = W2.shape[1]
    K3 = W3.shape[1]

    p1, nrm = _make_agg_norm(ET, NP, K1)(hp1.reshape(-1), sdf, dinv)
    p1 = p1.reshape(NW, K1, NP)
    hp2 = _tc_layer(p1, b1[:, None], W2.T, NP, K1)

    p2 = _make_agg(ET, NP, K2)(hp2.reshape(-1), sdf,
                               nrm).reshape(NW, K2, NP)
    hp3 = _tc_layer(p2, b2[:, None], W3.T, NP, K2)

    p3 = _make_agg(ET, NP, K3)(hp3.reshape(-1), sdf,
                               nrm).reshape(NW, K3, NP)
    outT, hT = _tc_layer(p3, b3[:, None], Wc.T, NP, K3, last=True,
                         bn=bc[:, None])

    return (outT.T[:N], hT.T[:N])

# --- scband reference (transcript-rebuilt; emitter-appended) ---
"""Pipeline reference for scband-gcn-13331578486815 (READ-ONLY COPY).

The authoritative reference and input builder live on the scoring server;
editing this copy changes nothing except your own understanding.
"""

import jax, jax.numpy as jnp
import numpy as np

N = 10000
E = 320000
D_IN = 128
N_CLASSES = 4


def setup_inputs(seed: int = 0) -> dict:
    key = jax.random.key(seed)
    ks = jax.random.split(key, 12)
    x = jax.random.normal(ks[0], (N, D_IN), dtype=jnp.float32)
    edge_index = jax.random.randint(ks[1], (2, E), 0, N, dtype=jnp.int32)
    W1 = jax.random.normal(ks[2], (D_IN, 4), dtype=jnp.float32) * (1.0 / np.sqrt(D_IN))
    b1 = jnp.zeros((4,), dtype=jnp.float32)
    W2 = jax.random.normal(ks[3], (4, 4), dtype=jnp.float32) * 0.5
    b2 = jnp.zeros((4,), dtype=jnp.float32)
    W3 = jax.random.normal(ks[4], (4, 2), dtype=jnp.float32) * 0.5
    b3 = jnp.zeros((2,), dtype=jnp.float32)
    Wc = jax.random.normal(ks[5], (2, N_CLASSES), dtype=jnp.float32) * 0.7
    bc = jnp.zeros((N_CLASSES,), dtype=jnp.float32)
    return {"x": x, "edge_index": edge_index, "W1": W1, "b1": b1, "W2": W2, "b2": b2, "W3": W3, "b3": b3, "Wc": Wc, "bc": bc}


def _gcn_conv(x, edge_index, W, b):
    # PyG GCNConv: project, then aggregate with symmetric normalization and self-loops.
    n = x.shape[0]
    src = edge_index[0]
    dst = edge_index[1]
    loop = jnp.arange(n, dtype=src.dtype)
    s = jnp.concatenate([src, loop])
    d = jnp.concatenate([dst, loop])
    deg = jnp.zeros((n,), dtype=x.dtype).at[d].add(1.0)
    dinv = jax.lax.rsqrt(jnp.maximum(deg, 1.0))
    norm = dinv[s] * dinv[d]
    h = x @ W
    msg = h[s] * norm[:, None]
    out = jnp.zeros((n, W.shape[1]), dtype=x.dtype).at[d].add(msg)
    return out + b


def reference(x, edge_index, W1, b1, W2, b2, W3, b3, Wc, bc):
    h = jnp.tanh(_gcn_conv(x, edge_index, W1, b1))
    h = jnp.tanh(_gcn_conv(h, edge_index, W2, b2))
    h = jnp.tanh(_gcn_conv(h, edge_index, W3, b3))
    out = h @ Wc + bc
    return (out, h)

if __name__ == "__main__":
    import jax
    _d = setup_inputs()
    print(jax.jit(kernel)(*tuple(_d.values())))

</pallas_src>

<mosaic_0001>
#map = affine_map<(d0, d1) -> (0)>
#map1 = affine_map<(d0, d1) -> (0, 0)>
module attributes {stable_mosaic.version = 14 : i64} {
  func.func @deg_kernel(%arg0: i32, %arg1: i32, %arg2: memref<330240xi32, #tpu.memory_space<hbm>>, %arg3: memref<32x10240xf32, #tpu.memory_space<hbm>>, %arg4: memref<10320xi32, #tpu.memory_space<vmem>>, %arg5: memref<10240xf32, #tpu.memory_space<vmem>>, %arg6: memref<!tpu.dma_semaphore, #tpu.memory_space<semaphore_mem>>) attributes {dimension_semantics = [#tpu.dimension_semantics<core_parallel>, #tpu.dimension_semantics<subcore_parallel>], iteration_bounds = array<i64: 2, 16>, scalar_prefetch = 0 : i64, scratch_operands = 3 : i64, tpu.core_type = #tpu.core_type<sc_vector_subcore>, window_params = [{transform_indices = #map}, {transform_indices = #map1}]} {
    %mul3A = arith.constant 16 : i32
    %mul3A_0 = arith.muli %arg0, %mul3A : i32
    %add3A = arith.addi %mul3A_0, %arg1 : i32
    %mul3A_1 = arith.constant 10320 : i32
    %mul3A_2 = arith.muli %add3A, %mul3A_1 : i32
    %broadcast_in_dim3A = arith.constant 1.000000e+00 : f32
    %broadcast_in_dim3A_3 = vector.broadcast %broadcast_in_dim3A : f32 to vector<16xf32>
    %dma_start3A = tpu.memref_slice %arg2[%mul3A_2] : memref<330240xi32, #tpu.memory_space<hbm>> -> memref<10320xi32, #tpu.memory_space<hbm>>
    %dma_start3A_4 = tpu.memref_slice %arg2[%mul3A_2] : memref<330240xi32, #tpu.memory_space<hbm>> -> memref<10320xi32, #tpu.memory_space<hbm>>
    tpu.enqueue_dma source(%dma_start3A_4 : memref<10320xi32, #tpu.memory_space<hbm>>) target(%arg4 : memref<10320xi32, #tpu.memory_space<vmem>>) target_semaphore(%arg6 : memref<!tpu.dma_semaphore, #tpu.memory_space<semaphore_mem>>)
    %broadcast_in_dim3A_5 = arith.constant 0.000000e+00 : f32
    %broadcast_in_dim3A_6 = vector.broadcast %broadcast_in_dim3A_5 : f32 to vector<16xf32>
    %parallel_loop3A = arith.constant 0 : i32
    %parallel_loop3A_7 = arith.constant 640 : i32
    %parallel_loop3A_8 = arith.constant 1 : i32
    scf.for %parallel_loop3A_25 = %parallel_loop3A to %parallel_loop3A_7 step %parallel_loop3A_8  : i32 {
      %parallel_loop3A_26 = arith.constant 16 : i32
      %parallel_loop3A_27 = arith.muli %parallel_loop3A_25, %parallel_loop3A_26 : i32
      %parallel_loop3A_28 = arith.index_cast %parallel_loop3A_27 : i32 to index
      %parallel_loop3A_29 = tpu.vector_load %arg5[%parallel_loop3A_28] {strides = array<i32>} : memref<10240xf32, #tpu.memory_space<vmem>>, vector<16xf32>,
      tpu.vector_store %arg5[%parallel_loop3A_28], %broadcast_in_dim3A_6 {strides = array<i32>} : memref<10240xf32, #tpu.memory_space<vmem>>, vector<16xf32>,
    } {sc.loop_unroll_factor = 8 : i64, sc.parallel_access}
    %dma_wait3A = tpu.memref_slice %arg2[%mul3A_2] : memref<330240xi32, #tpu.memory_space<hbm>> -> memref<10320xi32, #tpu.memory_space<hbm>>
    %dma_wait3A_9 = tpu.memref_slice %arg2[%mul3A_2] : memref<330240xi32, #tpu.memory_space<hbm>> -> memref<10320xi32, #tpu.memory_space<hbm>>
    tpu.wait_dma2 semaphore(%arg6 : memref<!tpu.dma_semaphore, #tpu.memory_space<semaphore_mem>>) src(%dma_wait3A_9 : memref<10320xi32, #tpu.memory_space<hbm>>) dst(%arg4 : memref<10320xi32, #tpu.memory_space<vmem>>)
    %parallel_loop3A_10 = arith.constant 0 : i32
    %parallel_loop3A_11 = arith.constant 645 : i32
    %parallel_loop3A_12 = arith.constant 1 : i32
    scf.for %parallel_loop3A_25 = %parallel_loop3A_10 to %parallel_loop3A_11 step %parallel_loop3A_12  : i32 {
      %parallel_loop3A_26 = arith.constant 16 : i32
      %parallel_loop3A_27 = arith.muli %parallel_loop3A_25, %parallel_loop3A_26 : i32
      %parallel_loop3A_28 = arith.index_cast %parallel_loop3A_27 : i32 to index
      %parallel_loop3A_29 = tpu.vector_load %arg4[%parallel_loop3A_28] {strides = array<i32>} : memref<10320xi32, #tpu.memory_space<vmem>>, vector<16xi32>,
      %parallel_loop3A_30 = arith.constant 16383 : i32
      %parallel_loop3A_31 = vector.broadcast %parallel_loop3A_30 : i32 to vector<16xi32>
      %parallel_loop3A_32 = arith.andi %parallel_loop3A_29, %parallel_loop3A_31 : vector<16xi32>
      tpu.vector_store_idx %arg5[%parallel_loop3A_32], %broadcast_in_dim3A_3 {add = true} : memref<10240xf32, #tpu.memory_space<vmem>>[vector<16xi32>], vector<16xf32>,
    } {sc.loop_unroll_factor = 4 : i64, sc.parallel_access}
    %dma_start3A_13 = arith.constant 0 : i32
    %dma_start3A_14 = tpu.memref_slice %arg3[%add3A, %dma_start3A_13] : memref<32x10240xf32, #tpu.memory_space<hbm>> -> memref<1x10240xf32, #tpu.memory_space<hbm>>
    %dma_start3A_15 = tpu.memref_squeeze %dma_start3A_14 : memref<1x10240xf32, #tpu.memory_space<hbm>> -> memref<10240xf32, #tpu.memory_space<hbm>>
    %dma_start3A_16 = arith.constant 0 : i32
    %dma_start3A_17 = tpu.memref_slice %arg3[%add3A, %dma_start3A_16] : memref<32x10240xf32, #tpu.memory_space<hbm>> -> memref<1x10240xf32, #tpu.memory_space<hbm>>
    %dma_start3A_18 = tpu.memref_squeeze %dma_start3A_17 : memref<1x10240xf32, #tpu.memory_space<hbm>> -> memref<10240xf32, #tpu.memory_space<hbm>>
    tpu.enqueue_dma source(%arg5 : memref<10240xf32, #tpu.memory_space<vmem>>) target(%dma_start3A_18 : memref<10240xf32, #tpu.memory_space<hbm>>) target_semaphore(%arg6 : memref<!tpu.dma_semaphore, #tpu.memory_space<semaphore_mem>>)
    %dma_wait3A_19 = arith.constant 0 : i32
    %dma_wait3A_20 = tpu.memref_slice %arg3[%add3A, %dma_wait3A_19] : memref<32x10240xf32, #tpu.memory_space<hbm>> -> memref<1x10240xf32, #tpu.memory_space<hbm>>
    %dma_wait3A_21 = tpu.memref_squeeze %dma_wait3A_20 : memref<1x10240xf32, #tpu.memory_space<hbm>> -> memref<10240xf32, #tpu.memory_space<hbm>>
    %dma_wait3A_22 = arith.constant 0 : i32
    %dma_wait3A_23 = tpu.memref_slice %arg3[%add3A, %dma_wait3A_22] : memref<32x10240xf32, #tpu.memory_space<hbm>> -> memref<1x10240xf32, #tpu.memory_space<hbm>>
    %dma_wait3A_24 = tpu.memref_squeeze %dma_wait3A_23 : memref<1x10240xf32, #tpu.memory_space<hbm>> -> memref<10240xf32, #tpu.memory_space<hbm>>
    tpu.wait_dma2 semaphore(%arg6 : memref<!tpu.dma_semaphore, #tpu.memory_space<semaphore_mem>>) src(%arg5 : memref<10240xf32, #tpu.memory_space<vmem>>) dst(%dma_wait3A_24 : memref<10240xf32, #tpu.memory_space<hbm>>)
    return
  }
}

#map = affine_map<(d0, d1) -> (0)>
#map1 = affine_map<(d0, d1) -> (0, 0)>
module attributes {stable_mosaic.version = 14 : i64} {
  func.func @agg_norm_kernel(%arg0: i32, %arg1: i32, %arg2: memref<40960xf32, #tpu.memory_space<hbm>>, %arg3: memref<330240xi32, #tpu.memory_space<hbm>>, %arg4: memref<10240xf32, #tpu.memory_space<hbm>>, %arg5: memref<32x40960xf32, #tpu.memory_space<hbm>>, %arg6: memref<330240xf32, #tpu.memory_space<hbm>>, %arg7: memref<40960xf32, #tpu.memory_space<vmem>>, %arg8: memref<10320xi32, #tpu.memory_space<vmem>>, %arg9: memref<10320xf32, #tpu.memory_space<vmem>>, %arg10: memref<10240xf32, #tpu.memory_space<vmem>>, %arg11: memref<40960xf32, #tpu.memory_space<vmem>>, %arg12: memref<!tpu.dma_semaphore, #tpu.memory_space<semaphore_mem>>) attributes {dimension_semantics = [#tpu.dimension_semantics<core_parallel>, #tpu.dimension_semantics<subcore_parallel>], iteration_bounds = array<i64: 2, 16>, scalar_prefetch = 0 : i64, scratch_operands = 6 : i64, tpu.core_type = #tpu.core_type<sc_vector_subcore>, window_params = [{transform_indices = #map}, {transform_indices = #map}, {transform_indices = #map}, {transform_indices = #map1}, {transform_indices = #map}]} {
    %mul3A = arith.constant 16 : i32
    %mul3A_0 = arith.muli %arg0, %mul3A : i32
    %add3A = arith.addi %mul3A_0, %arg1 : i32
    %mul3A_1 = arith.constant 10320 : i32
    %mul3A_2 = arith.muli %add3A, %mul3A_1 : i32
    tpu.enqueue_dma source(%arg2 : memref<40960xf32, #tpu.memory_space<hbm>>) target(%arg7 : memref<40960xf32, #tpu.memory_space<vmem>>) target_semaphore(%arg12 : memref<!tpu.dma_semaphore, #tpu.memory_space<semaphore_mem>>)
    %dma_start3A = tpu.memref_slice %arg3[%mul3A_2] : memref<330240xi32, #tpu.memory_space<hbm>> -> memref<10320xi32, #tpu.memory_space<hbm>>
    %dma_start3A_3 = tpu.memref_slice %arg3[%mul3A_2] : memref<330240xi32, #tpu.memory_space<hbm>> -> memref<10320xi32, #tpu.memory_space<hbm>>
    tpu.enqueue_dma source(%dma_start3A_3 : memref<10320xi32, #tpu.memory_space<hbm>>) target(%arg8 : memref<10320xi32, #tpu.memory_space<vmem>>) target_semaphore(%arg12 : memref<!tpu.dma_semaphore, #tpu.memory_space<semaphore_mem>>)
    tpu.enqueue_dma source(%arg4 : memref<10240xf32, #tpu.memory_space<hbm>>) target(%arg10 : memref<10240xf32, #tpu.memory_space<vmem>>) target_semaphore(%arg12 : memref<!tpu.dma_semaphore, #tpu.memory_space<semaphore_mem>>)
    %broadcast_in_dim3A = arith.constant 0.000000e+00 : f32
    %broadcast_in_dim3A_4 = vector.broadcast %broadcast_in_dim3A : f32 to vector<16xf32>
    %parallel_loop3A = arith.constant 0 : i32
    %parallel_loop3A_5 = arith.constant 2560 : i32
    %parallel_loop3A_6 = arith.constant 1 : i32
    scf.for %parallel_loop3A_27 = %parallel_loop3A to %parallel_loop3A_5 step %parallel_loop3A_6  : i32 {
      %parallel_loop3A_28 = arith.constant 16 : i32
      %parallel_loop3A_29 = arith.muli %parallel_loop3A_27, %parallel_loop3A_28 : i32
      %parallel_loop3A_30 = arith.index_cast %parallel_loop3A_29 : i32 to index
      %parallel_loop3A_31 = tpu.vector_load %arg11[%parallel_loop3A_30] {strides = array<i32>} : memref<40960xf32, #tpu.memory_space<vmem>>, vector<16xf32>,
      tpu.vector_store %arg11[%parallel_loop3A_30], %broadcast_in_dim3A_4 {strides = array<i32>} : memref<40960xf32, #tpu.memory_space<vmem>>, vector<16xf32>,
    } {sc.loop_unroll_factor = 8 : i64, sc.parallel_access}
    tpu.wait_dma2 semaphore(%arg12 : memref<!tpu.dma_semaphore, #tpu.memory_space<semaphore_mem>>) src(%arg2 : memref<40960xf32, #tpu.memory_space<hbm>>) dst(%arg7 : memref<40960xf32, #tpu.memory_space<vmem>>)
    %dma_wait3A = tpu.memref_slice %arg3[%mul3A_2] : memref<330240xi32, #tpu.memory_space<hbm>> -> memref<10320xi32, #tpu.memory_space<hbm>>
    %dma_wait3A_7 = tpu.memref_slice %arg3[%mul3A_2] : memref<330240xi32, #tpu.memory_space<hbm>> -> memref<10320xi32, #tpu.memory_space<hbm>>
    tpu.wait_dma2 semaphore(%arg12 : memref<!tpu.dma_semaphore, #tpu.memory_space<semaphore_mem>>) src(%dma_wait3A_7 : memref<10320xi32, #tpu.memory_space<hbm>>) dst(%arg8 : memref<10320xi32, #tpu.memory_space<vmem>>)
    tpu.wait_dma2 semaphore(%arg12 : memref<!tpu.dma_semaphore, #tpu.memory_space<semaphore_mem>>) src(%arg4 : memref<10240xf32, #tpu.memory_space<hbm>>) dst(%arg10 : memref<10240xf32, #tpu.memory_space<vmem>>)
    %parallel_loop3A_8 = arith.constant 0 : i32
    %parallel_loop3A_9 = arith.constant 645 : i32
    %parallel_loop3A_10 = arith.constant 1 : i32
    scf.for %parallel_loop3A_27 = %parallel_loop3A_8 to %parallel_loop3A_9 step %parallel_loop3A_10  : i32 {
      %parallel_loop3A_28 = arith.constant 16 : i32
      %parallel_loop3A_29 = arith.muli %parallel_loop3A_27, %parallel_loop3A_28 : i32
      %parallel_loop3A_30 = arith.index_cast %parallel_loop3A_29 : i32 to index
      %parallel_loop3A_31 = tpu.vector_load %arg8[%parallel_loop3A_30] {strides = array<i32>} : memref<10320xi32, #tpu.memory_space<vmem>>, vector<16xi32>,
      %parallel_loop3A_32 = arith.constant 14 : i32
      %parallel_loop3A_33 = vector.broadcast %parallel_loop3A_32 : i32 to vector<16xi32>
      %parallel_loop3A_34 = arith.shrui %parallel_loop3A_31, %parallel_loop3A_33 : vector<16xi32>
      %parallel_loop3A_35 = arith.constant 16383 : i32
      %parallel_loop3A_36 = vector.broadcast %parallel_loop3A_35 : i32 to vector<16xi32>
      %parallel_loop3A_37 = arith.andi %parallel_loop3A_31, %parallel_loop3A_36 : vector<16xi32>
      %parallel_loop3A_38 = tpu.vector_load_idx %arg10[%parallel_loop3A_34] : memref<10240xf32, #tpu.memory_space<vmem>>[vector<16xi32>], vector<16xf32>,
      %parallel_loop3A_39 = tpu.vector_load_idx %arg10[%parallel_loop3A_37] : memref<10240xf32, #tpu.memory_space<vmem>>[vector<16xi32>], vector<16xf32>,
      %parallel_loop3A_40 = arith.mulf %parallel_loop3A_38, %parallel_loop3A_39 : vector<16xf32>
      %parallel_loop3A_41 = arith.index_cast %parallel_loop3A_29 : i32 to index
      %parallel_loop3A_42 = tpu.vector_load %arg9[%parallel_loop3A_41] {strides = array<i32>} : memref<10320xf32, #tpu.memory_space<vmem>>, vector<16xf32>,
      tpu.vector_store %arg9[%parallel_loop3A_41], %parallel_loop3A_40 {strides = array<i32>} : memref<10320xf32, #tpu.memory_space<vmem>>, vector<16xf32>,
      %parallel_loop3A_43 = arith.constant 0 : i32
      %parallel_loop3A_44 = vector.broadcast %parallel_loop3A_43 : i32 to vector<16xi32>
      %parallel_loop3A_45 = arith.addi %parallel_loop3A_34, %parallel_loop3A_44 : vector<16xi32>
      %parallel_loop3A_46 = tpu.vector_load_idx %arg7[%parallel_loop3A_45] : memref<40960xf32, #tpu.memory_space<vmem>>[vector<16xi32>], vector<16xf32>,
      %parallel_loop3A_47 = arith.constant 0 : i32
      %parallel_loop3A_48 = vector.broadcast %parallel_loop3A_47 : i32 to vector<16xi32>
      %parallel_loop3A_49 = arith.addi %parallel_loop3A_37, %parallel_loop3A_48 : vector<16xi32>
      %parallel_loop3A_50 = arith.mulf %parallel_loop3A_46, %parallel_loop3A_40 : vector<16xf32>
      tpu.vector_store_idx %arg11[%parallel_loop3A_49], %parallel_loop3A_50 {add = true} : memref<40960xf32, #tpu.memory_space<vmem>>[vector<16xi32>], vector<16xf32>,
      %parallel_loop3A_51 = arith.constant 10240 : i32
      %parallel_loop3A_52 = vector.broadcast %parallel_loop3A_51 : i32 to vector<16xi32>
      %parallel_loop3A_53 = arith.addi %parallel_loop3A_34, %parallel_loop3A_52 : vector<16xi32>
      %parallel_loop3A_54 = tpu.vector_load_idx %arg7[%parallel_loop3A_53] : memref<40960xf32, #tpu.memory_space<vmem>>[vector<16xi32>], vector<16xf32>,
      %parallel_loop3A_55 = arith.constant 10240 : i32
      %parallel_loop3A_56 = vector.broadcast %parallel_loop3A_55 : i32 to vector<16xi32>
      %parallel_loop3A_57 = arith.addi %parallel_loop3A_37, %parallel_loop3A_56 : vector<16xi32>
      %parallel_loop3A_58 = arith.mulf %parallel_loop3A_54, %parallel_loop3A_40 : vector<16xf32>
      tpu.vector_store_idx %arg11[%parallel_loop3A_57], %parallel_loop3A_58 {add = true} : memref<40960xf32, #tpu.memory_space<vmem>>[vector<16xi32>], vector<16xf32>,
      %parallel_loop3A_59 = arith.constant 20480 : i32
      %parallel_loop3A_60 = vector.broadcast %parallel_loop3A_59 : i32 to vector<16xi32>
      %parallel_loop3A_61 = arith.addi %parallel_loop3A_34, %parallel_loop3A_60 : vector<16xi32>
      %parallel_loop3A_62 = tpu.vector_load_idx %arg7[%parallel_loop3A_61] : memref<40960xf32, #tpu.memory_space<vmem>>[vector<16xi32>], vector<16xf32>,
      %parallel_loop3A_63 = arith.constant 20480 : i32
      %parallel_loop3A_64 = vector.broadcast %parallel_loop3A_63 : i32 to vector<16xi32>
      %parallel_loop3A_65 = arith.addi %parallel_loop3A_37, %parallel_loop3A_64 : vector<16xi32>
      %parallel_loop3A_66 = arith.mulf %parallel_loop3A_62, %parallel_loop3A_40 : vector<16xf32>
      tpu.vector_store_idx %arg11[%parallel_loop3A_65], %parallel_loop3A_66 {add = true} : memref<40960xf32, #tpu.memory_space<vmem>>[vector<16xi32>], vector<16xf32>,
      %parallel_loop3A_67 = arith.constant 30720 : i32
      %parallel_loop3A_68 = vector.broadcast %parallel_loop3A_67 : i32 to vector<16xi32>
      %parallel_loop3A_69 = arith.addi %parallel_loop3A_34, %parallel_loop3A_68 : vector<16xi32>
      %parallel_loop3A_70 = tpu.vector_load_idx %arg7[%parallel_loop3A_69] : memref<40960xf32, #tpu.memory_space<vmem>>[vector<16xi32>], vector<16xf32>,
      %parallel_loop3A_71 = arith.constant 30720 : i32
      %parallel_loop3A_72 = vector.broadcast %parallel_loop3A_71 : i32 to vector<16xi32>
      %parallel_loop3A_73 = arith.addi %parallel_loop3A_37, %parallel_loop3A_72 : vector<16xi32>
      %parallel_loop3A_74 = arith.mulf %parallel_loop3A_70, %parallel_loop3A_40 : vector<16xf32>
      tpu.vector_store_idx %arg11[%parallel_loop3A_73], %parallel_loop3A_74 {add = true} : memref<40960xf32, #tpu.memory_space<vmem>>[vector<16xi32>], vector<16xf32>,
    } {sc.loop_unroll_factor = 4 : i64, sc.parallel_access}
    %dma_start3A_11 = tpu.memref_slice %arg6[%mul3A_2] : memref<330240xf32, #tpu.memory_space<hbm>> -> memref<10320xf32, #tpu.memory_space<hbm>>
    %dma_start3A_12 = tpu.memref_slice %arg6[%mul3A_2] : memref<330240xf32, #tpu.memory_space<hbm>> -> memref<10320xf32, #tpu.memory_space<hbm>>
    tpu.enqueue_dma source(%arg9 : memref<10320xf32, #tpu.memory_space<vmem>>) target(%dma_start3A_12 : memref<10320xf32, #tpu.memory_space<hbm>>) target_semaphore(%arg12 : memref<!tpu.dma_semaphore, #tpu.memory_space<semaphore_mem>>)
    %dma_start3A_13 = arith.constant 0 : i32
    %dma_start3A_14 = tpu.memref_slice %arg5[%add3A, %dma_start3A_13] : memref<32x40960xf32, #tpu.memory_space<hbm>> -> memref<1x40960xf32, #tpu.memory_space<hbm>>
    %dma_start3A_15 = tpu.memref_squeeze %dma_start3A_14 : memref<1x40960xf32, #tpu.memory_space<hbm>> -> memref<40960xf32, #tpu.memory_space<hbm>>
    %dma_start3A_16 = arith.constant 0 : i32
    %dma_start3A_17 = tpu.memref_slice %arg5[%add3A, %dma_start3A_16] : memref<32x40960xf32, #tpu.memory_space<hbm>> -> memref<1x40960xf32, #tpu.memory_space<hbm>>
    %dma_start3A_18 = tpu.memref_squeeze %dma_start3A_17 : memref<1x40960xf32, #tpu.memory_space<hbm>> -> memref<40960xf32, #tpu.memory_space<hbm>>
    tpu.enqueue_dma source(%arg11 : memref<40960xf32, #tpu.memory_space<vmem>>) target(%dma_start3A_18 : memref<40960xf32, #tpu.memory_space<hbm>>) target_semaphore(%arg12 : memref<!tpu.dma_semaphore, #tpu.memory_space<semaphore_mem>>)
    %dma_wait3A_19 = arith.constant 0 : i32
    %dma_wait3A_20 = tpu.memref_slice %arg5[%add3A, %dma_wait3A_19] : memref<32x40960xf32, #tpu.memory_space<hbm>> -> memref<1x40960xf32, #tpu.memory_space<hbm>>
    %dma_wait3A_21 = tpu.memref_squeeze %dma_wait3A_20 : memref<1x40960xf32, #tpu.memory_space<hbm>> -> memref<40960xf32, #tpu.memory_space<hbm>>
    %dma_wait3A_22 = arith.constant 0 : i32
    %dma_wait3A_23 = tpu.memref_slice %arg5[%add3A, %dma_wait3A_22] : memref<32x40960xf32, #tpu.memory_space<hbm>> -> memref<1x40960xf32, #tpu.memory_space<hbm>>
    %dma_wait3A_24 = tpu.memref_squeeze %dma_wait3A_23 : memref<1x40960xf32, #tpu.memory_space<hbm>> -> memref<40960xf32, #tpu.memory_space<hbm>>
    tpu.wait_dma2 semaphore(%arg12 : memref<!tpu.dma_semaphore, #tpu.memory_space<semaphore_mem>>) src(%arg11 : memref<40960xf32, #tpu.memory_space<vmem>>) dst(%dma_wait3A_24 : memref<40960xf32, #tpu.memory_space<hbm>>)
    %dma_wait3A_25 = tpu.memref_slice %arg6[%mul3A_2] : memref<330240xf32, #tpu.memory_space<hbm>> -> memref<10320xf32, #tpu.memory_space<hbm>>
    %dma_wait3A_26 = tpu.memref_slice %arg6[%mul3A_2] : memref<330240xf32, #tpu.memory_space<hbm>> -> memref<10320xf32, #tpu.memory_space<hbm>>
    tpu.wait_dma2 semaphore(%arg12 : memref<!tpu.dma_semaphore, #tpu.memory_space<semaphore_mem>>) src(%arg9 : memref<10320xf32, #tpu.memory_space<vmem>>) dst(%dma_wait3A_26 : memref<10320xf32, #tpu.memory_space<hbm>>)
    return
  }
}

#map = affine_map<(d0, d1) -> (0)>
#map1 = affine_map<(d0, d1) -> (0, 0)>
module attributes {stable_mosaic.version = 14 : i64} {
  func.func @agg_kernel(%arg0: i32, %arg1: i32, %arg2: memref<20480xf32, #tpu.memory_space<hbm>>, %arg3: memref<330240xi32, #tpu.memory_space<hbm>>, %arg4: memref<330240xf32, #tpu.memory_space<hbm>>, %arg5: memref<32x20480xf32, #tpu.memory_space<hbm>>, %arg6: memref<20480xf32, #tpu.memory_space<vmem>>, %arg7: memref<10320xi32, #tpu.memory_space<vmem>>, %arg8: memref<10320xf32, #tpu.memory_space<vmem>>, %arg9: memref<20480xf32, #tpu.memory_space<vmem>>, %arg10: memref<!tpu.dma_semaphore, #tpu.memory_space<semaphore_mem>>) attributes {dimension_semantics = [#tpu.dimension_semantics<core_parallel>, #tpu.dimension_semantics<subcore_parallel>], iteration_bounds = array<i64: 2, 16>, scalar_prefetch = 0 : i64, scratch_operands = 5 : i64, tpu.core_type = #tpu.core_type<sc_vector_subcore>, window_params = [{transform_indices = #map}, {transform_indices = #map}, {transform_indices = #map}, {transform_indices = #map1}]} {
    %mul3A = arith.constant 16 : i32
    %mul3A_0 = arith.muli %arg0, %mul3A : i32
    %add3A = arith.addi %mul3A_0, %arg1 : i32
    %mul3A_1 = arith.constant 10320 : i32
    %mul3A_2 = arith.muli %add3A, %mul3A_1 : i32
    tpu.enqueue_dma source(%arg2 : memref<20480xf32, #tpu.memory_space<hbm>>) target(%arg6 : memref<20480xf32, #tpu.memory_space<vmem>>) target_semaphore(%arg10 : memref<!tpu.dma_semaphore, #tpu.memory_space<semaphore_mem>>)
    %dma_start3A = tpu.memref_slice %arg3[%mul3A_2] : memref<330240xi32, #tpu.memory_space<hbm>> -> memref<10320xi32, #tpu.memory_space<hbm>>
    %dma_start3A_3 = tpu.memref_slice %arg3[%mul3A_2] : memref<330240xi32, #tpu.memory_space<hbm>> -> memref<10320xi32, #tpu.memory_space<hbm>>
    tpu.enqueue_dma source(%dma_start3A_3 : memref<10320xi32, #tpu.memory_space<hbm>>) target(%arg7 : memref<10320xi32, #tpu.memory_space<vmem>>) target_semaphore(%arg10 : memref<!tpu.dma_semaphore, #tpu.memory_space<semaphore_mem>>)
    %dma_start3A_4 = tpu.memref_slice %arg4[%mul3A_2] : memref<330240xf32, #tpu.memory_space<hbm>> -> memref<10320xf32, #tpu.memory_space<hbm>>
    %dma_start3A_5 = tpu.memref_slice %arg4[%mul3A_2] : memref<330240xf32, #tpu.memory_space<hbm>> -> memref<10320xf32, #tpu.memory_space<hbm>>
    tpu.enqueue_dma source(%dma_start3A_5 : memref<10320xf32, #tpu.memory_space<hbm>>) target(%arg8 : memref<10320xf32, #tpu.memory_space<vmem>>) target_semaphore(%arg10 : memref<!tpu.dma_semaphore, #tpu.memory_space<semaphore_mem>>)
    %broadcast_in_dim3A = arith.constant 0.000000e+00 : f32
    %broadcast_in_dim3A_6 = vector.broadcast %broadcast_in_dim3A : f32 to vector<16xf32>
    %parallel_loop3A = arith.constant 0 : i32
    %parallel_loop3A_7 = arith.constant 1280 : i32
    %parallel_loop3A_8 = arith.constant 1 : i32
    scf.for %parallel_loop3A_27 = %parallel_loop3A to %parallel_loop3A_7 step %parallel_loop3A_8  : i32 {
      %parallel_loop3A_28 = arith.constant 16 : i32
      %parallel_loop3A_29 = arith.muli %parallel_loop3A_27, %parallel_loop3A_28 : i32
      %parallel_loop3A_30 = arith.index_cast %parallel_loop3A_29 : i32 to index
      %parallel_loop3A_31 = tpu.vector_load %arg9[%parallel_loop3A_30] {strides = array<i32>} : memref<20480xf32, #tpu.memory_space<vmem>>, vector<16xf32>,
      tpu.vector_store %arg9[%parallel_loop3A_30], %broadcast_in_dim3A_6 {strides = array<i32>} : memref<20480xf32, #tpu.memory_space<vmem>>, vector<16xf32>,
    } {sc.loop_unroll_factor = 8 : i64, sc.parallel_access}
    tpu.wait_dma2 semaphore(%arg10 : memref<!tpu.dma_semaphore, #tpu.memory_space<semaphore_mem>>) src(%arg2 : memref<20480xf32, #tpu.memory_space<hbm>>) dst(%arg6 : memref<20480xf32, #tpu.memory_space<vmem>>)
    %dma_wait3A = tpu.memref_slice %arg3[%mul3A_2] : memref<330240xi32, #tpu.memory_space<hbm>> -> memref<10320xi32, #tpu.memory_space<hbm>>
    %dma_wait3A_9 = tpu.memref_slice %arg3[%mul3A_2] : memref<330240xi32, #tpu.memory_space<hbm>> -> memref<10320xi32, #tpu.memory_space<hbm>>
    tpu.wait_dma2 semaphore(%arg10 : memref<!tpu.dma_semaphore, #tpu.memory_space<semaphore_mem>>) src(%dma_wait3A_9 : memref<10320xi32, #tpu.memory_space<hbm>>) dst(%arg7 : memref<10320xi32, #tpu.memory_space<vmem>>)
    %dma_wait3A_10 = tpu.memref_slice %arg4[%mul3A_2] : memref<330240xf32, #tpu.memory_space<hbm>> -> memref<10320xf32, #tpu.memory_space<hbm>>
    %dma_wait3A_11 = tpu.memref_slice %arg4[%mul3A_2] : memref<330240xf32, #tpu.memory_space<hbm>> -> memref<10320xf32, #tpu.memory_space<hbm>>
    tpu.wait_dma2 semaphore(%arg10 : memref<!tpu.dma_semaphore, #tpu.memory_space<semaphore_mem>>) src(%dma_wait3A_11 : memref<10320xf32, #tpu.memory_space<hbm>>) dst(%arg8 : memref<10320xf32, #tpu.memory_space<vmem>>)
    %parallel_loop3A_12 = arith.constant 0 : i32
    %parallel_loop3A_13 = arith.constant 645 : i32
    %parallel_loop3A_14 = arith.constant 1 : i32
    scf.for %parallel_loop3A_27 = %parallel_loop3A_12 to %parallel_loop3A_13 step %parallel_loop3A_14  : i32 {
      %parallel_loop3A_28 = arith.constant 16 : i32
      %parallel_loop3A_29 = arith.muli %parallel_loop3A_27, %parallel_loop3A_28 : i32
      %parallel_loop3A_30 = arith.index_cast %parallel_loop3A_29 : i32 to index
      %parallel_loop3A_31 = tpu.vector_load %arg7[%parallel_loop3A_30] {strides = array<i32>} : memref<10320xi32, #tpu.memory_space<vmem>>, vector<16xi32>,
      %parallel_loop3A_32 = arith.constant 14 : i32
      %parallel_loop3A_33 = vector.broadcast %parallel_loop3A_32 : i32 to vector<16xi32>
      %parallel_loop3A_34 = arith.shrui %parallel_loop3A_31, %parallel_loop3A_33 : vector<16xi32>
      %parallel_loop3A_35 = arith.constant 16383 : i32
      %parallel_loop3A_36 = vector.broadcast %parallel_loop3A_35 : i32 to vector<16xi32>
      %parallel_loop3A_37 = arith.andi %parallel_loop3A_31, %parallel_loop3A_36 : vector<16xi32>
      %parallel_loop3A_38 = arith.index_cast %parallel_loop3A_29 : i32 to index
      %parallel_loop3A_39 = tpu.vector_load %arg8[%parallel_loop3A_38] {strides = array<i32>} : memref<10320xf32, #tpu.memory_space<vmem>>, vector<16xf32>,
      %parallel_loop3A_40 = arith.constant 0 : i32
      %parallel_loop3A_41 = vector.broadcast %parallel_loop3A_40 : i32 to vector<16xi32>
      %parallel_loop3A_42 = arith.addi %parallel_loop3A_34, %parallel_loop3A_41 : vector<16xi32>
      %parallel_loop3A_43 = tpu.vector_load_idx %arg6[%parallel_loop3A_42] : memref<20480xf32, #tpu.memory_space<vmem>>[vector<16xi32>], vector<16xf32>,
      %parallel_loop3A_44 = arith.constant 0 : i32
      %parallel_loop3A_45 = vector.broadcast %parallel_loop3A_44 : i32 to vector<16xi32>
      %parallel_loop3A_46 = arith.addi %parallel_loop3A_37, %parallel_loop3A_45 : vector<16xi32>
      %parallel_loop3A_47 = arith.mulf %parallel_loop3A_43, %parallel_loop3A_39 : vector<16xf32>
      tpu.vector_store_idx %arg9[%parallel_loop3A_46], %parallel_loop3A_47 {add = true} : memref<20480xf32, #tpu.memory_space<vmem>>[vector<16xi32>], vector<16xf32>,
      %parallel_loop3A_48 = arith.constant 10240 : i32
      %parallel_loop3A_49 = vector.broadcast %parallel_loop3A_48 : i32 to vector<16xi32>
      %parallel_loop3A_50 = arith.addi %parallel_loop3A_34, %parallel_loop3A_49 : vector<16xi32>
      %parallel_loop3A_51 = tpu.vector_load_idx %arg6[%parallel_loop3A_50] : memref<20480xf32, #tpu.memory_space<vmem>>[vector<16xi32>], vector<16xf32>,
      %parallel_loop3A_52 = arith.constant 10240 : i32
      %parallel_loop3A_53 = vector.broadcast %parallel_loop3A_52 : i32 to vector<16xi32>
      %parallel_loop3A_54 = arith.addi %parallel_loop3A_37, %parallel_loop3A_53 : vector<16xi32>
      %parallel_loop3A_55 = arith.mulf %parallel_loop3A_51, %parallel_loop3A_39 : vector<16xf32>
      tpu.vector_store_idx %arg9[%parallel_loop3A_54], %parallel_loop3A_55 {add = true} : memref<20480xf32, #tpu.memory_space<vmem>>[vector<16xi32>], vector<16xf32>,
    } {sc.loop_unroll_factor = 4 : i64, sc.parallel_access}
    %dma_start3A_15 = arith.constant 0 : i32
    %dma_start3A_16 = tpu.memref_slice %arg5[%add3A, %dma_start3A_15] : memref<32x20480xf32, #tpu.memory_space<hbm>> -> memref<1x20480xf32, #tpu.memory_space<hbm>>
    %dma_start3A_17 = tpu.memref_squeeze %dma_start3A_16 : memref<1x20480xf32, #tpu.memory_space<hbm>> -> memref<20480xf32, #tpu.memory_space<hbm>>
    %dma_start3A_18 = arith.constant 0 : i32
    %dma_start3A_19 = tpu.memref_slice %arg5[%add3A, %dma_start3A_18] : memref<32x20480xf32, #tpu.memory_space<hbm>> -> memref<1x20480xf32, #tpu.memory_space<hbm>>
    %dma_start3A_20 = tpu.memref_squeeze %dma_start3A_19 : memref<1x20480xf32, #tpu.memory_space<hbm>> -> memref<20480xf32, #tpu.memory_space<hbm>>
    tpu.enqueue_dma source(%arg9 : memref<20480xf32, #tpu.memory_space<vmem>>) target(%dma_start3A_20 : memref<20480xf32, #tpu.memory_space<hbm>>) target_semaphore(%arg10 : memref<!tpu.dma_semaphore, #tpu.memory_space<semaphore_mem>>)
    %dma_wait3A_21 = arith.constant 0 : i32
    %dma_wait3A_22 = tpu.memref_slice %arg5[%add3A, %dma_wait3A_21] : memref<32x20480xf32, #tpu.memory_space<hbm>> -> memref<1x20480xf32, #tpu.memory_space<hbm>>
    %dma_wait3A_23 = tpu.memref_squeeze %dma_wait3A_22 : memref<1x20480xf32, #tpu.memory_space<hbm>> -> memref<20480xf32, #tpu.memory_space<hbm>>
    %dma_wait3A_24 = arith.constant 0 : i32
    %dma_wait3A_25 = tpu.memref_slice %arg5[%add3A, %dma_wait3A_24] : memref<32x20480xf32, #tpu.memory_space<hbm>> -> memref<1x20480xf32, #tpu.memory_space<hbm>>
    %dma_wait3A_26 = tpu.memref_squeeze %dma_wait3A_25 : memref<1x20480xf32, #tpu.memory_space<hbm>> -> memref<20480xf32, #tpu.memory_space<hbm>>
    tpu.wait_dma2 semaphore(%arg10 : memref<!tpu.dma_semaphore, #tpu.memory_space<semaphore_mem>>) src(%arg9 : memref<20480xf32, #tpu.memory_space<vmem>>) dst(%dma_wait3A_26 : memref<20480xf32, #tpu.memory_space<hbm>>)
    return
  }
}

#map = affine_map<(d0, d1) -> (0)>
#map1 = affine_map<(d0, d1) -> (0, 0)>
module attributes {stable_mosaic.version = 14 : i64} {
  func.func @agg_kernel(%arg0: i32, %arg1: i32, %arg2: memref<40960xf32, #tpu.memory_space<hbm>>, %arg3: memref<330240xi32, #tpu.memory_space<hbm>>, %arg4: memref<330240xf32, #tpu.memory_space<hbm>>, %arg5: memref<32x40960xf32, #tpu.memory_space<hbm>>, %arg6: memref<40960xf32, #tpu.memory_space<vmem>>, %arg7: memref<10320xi32, #tpu.memory_space<vmem>>, %arg8: memref<10320xf32, #tpu.memory_space<vmem>>, %arg9: memref<40960xf32, #tpu.memory_space<vmem>>, %arg10: memref<!tpu.dma_semaphore, #tpu.memory_space<semaphore_mem>>) attributes {dimension_semantics = [#tpu.dimension_semantics<core_parallel>, #tpu.dimension_semantics<subcore_parallel>], iteration_bounds = array<i64: 2, 16>, scalar_prefetch = 0 : i64, scratch_operands = 5 : i64, tpu.core_type = #tpu.core_type<sc_vector_subcore>, window_params = [{transform_indices = #map}, {transform_indices = #map}, {transform_indices = #map}, {transform_indices = #map1}]} {
    %mul3A = arith.constant 16 : i32
    %mul3A_0 = arith.muli %arg0, %mul3A : i32
    %add3A = arith.addi %mul3A_0, %arg1 : i32
    %mul3A_1 = arith.constant 10320 : i32
    %mul3A_2 = arith.muli %add3A, %mul3A_1 : i32
    tpu.enqueue_dma source(%arg2 : memref<40960xf32, #tpu.memory_space<hbm>>) target(%arg6 : memref<40960xf32, #tpu.memory_space<vmem>>) target_semaphore(%arg10 : memref<!tpu.dma_semaphore, #tpu.memory_space<semaphore_mem>>)
    %dma_start3A = tpu.memref_slice %arg3[%mul3A_2] : memref<330240xi32, #tpu.memory_space<hbm>> -> memref<10320xi32, #tpu.memory_space<hbm>>
    %dma_start3A_3 = tpu.memref_slice %arg3[%mul3A_2] : memref<330240xi32, #tpu.memory_space<hbm>> -> memref<10320xi32, #tpu.memory_space<hbm>>
    tpu.enqueue_dma source(%dma_start3A_3 : memref<10320xi32, #tpu.memory_space<hbm>>) target(%arg7 : memref<10320xi32, #tpu.memory_space<vmem>>) target_semaphore(%arg10 : memref<!tpu.dma_semaphore, #tpu.memory_space<semaphore_mem>>)
    %dma_start3A_4 = tpu.memref_slice %arg4[%mul3A_2] : memref<330240xf32, #tpu.memory_space<hbm>> -> memref<10320xf32, #tpu.memory_space<hbm>>
    %dma_start3A_5 = tpu.memref_slice %arg4[%mul3A_2] : memref<330240xf32, #tpu.memory_space<hbm>> -> memref<10320xf32, #tpu.memory_space<hbm>>
    tpu.enqueue_dma source(%dma_start3A_5 : memref<10320xf32, #tpu.memory_space<hbm>>) target(%arg8 : memref<10320xf32, #tpu.memory_space<vmem>>) target_semaphore(%arg10 : memref<!tpu.dma_semaphore, #tpu.memory_space<semaphore_mem>>)
    %broadcast_in_dim3A = arith.constant 0.000000e+00 : f32
    %broadcast_in_dim3A_6 = vector.broadcast %broadcast_in_dim3A : f32 to vector<16xf32>
    %parallel_loop3A = arith.constant 0 : i32
    %parallel_loop3A_7 = arith.constant 2560 : i32
    %parallel_loop3A_8 = arith.constant 1 : i32
    scf.for %parallel_loop3A_27 = %parallel_loop3A to %parallel_loop3A_7 step %parallel_loop3A_8  : i32 {
      %parallel_loop3A_28 = arith.constant 16 : i32
      %parallel_loop3A_29 = arith.muli %parallel_loop3A_27, %parallel_loop3A_28 : i32
      %parallel_loop3A_30 = arith.index_cast %parallel_loop3A_29 : i32 to index
      %parallel_loop3A_31 = tpu.vector_load %arg9[%parallel_loop3A_30] {strides = array<i32>} : memref<40960xf32, #tpu.memory_space<vmem>>, vector<16xf32>,
      tpu.vector_store %arg9[%parallel_loop3A_30], %broadcast_in_dim3A_6 {strides = array<i32>} : memref<40960xf32, #tpu.memory_space<vmem>>, vector<16xf32>,
    } {sc.loop_unroll_factor = 8 : i64, sc.parallel_access}
    tpu.wait_dma2 semaphore(%arg10 : memref<!tpu.dma_semaphore, #tpu.memory_space<semaphore_mem>>) src(%arg2 : memref<40960xf32, #tpu.memory_space<hbm>>) dst(%arg6 : memref<40960xf32, #tpu.memory_space<vmem>>)
    %dma_wait3A = tpu.memref_slice %arg3[%mul3A_2] : memref<330240xi32, #tpu.memory_space<hbm>> -> memref<10320xi32, #tpu.memory_space<hbm>>
    %dma_wait3A_9 = tpu.memref_slice %arg3[%mul3A_2] : memref<330240xi32, #tpu.memory_space<hbm>> -> memref<10320xi32, #tpu.memory_space<hbm>>
    tpu.wait_dma2 semaphore(%arg10 : memref<!tpu.dma_semaphore, #tpu.memory_space<semaphore_mem>>) src(%dma_wait3A_9 : memref<10320xi32, #tpu.memory_space<hbm>>) dst(%arg7 : memref<10320xi32, #tpu.memory_space<vmem>>)
    %dma_wait3A_10 = tpu.memref_slice %arg4[%mul3A_2] : memref<330240xf32, #tpu.memory_space<hbm>> -> memref<10320xf32, #tpu.memory_space<hbm>>
    %dma_wait3A_11 = tpu.memref_slice %arg4[%mul3A_2] : memref<330240xf32, #tpu.memory_space<hbm>> -> memref<10320xf32, #tpu.memory_space<hbm>>
    tpu.wait_dma2 semaphore(%arg10 : memref<!tpu.dma_semaphore, #tpu.memory_space<semaphore_mem>>) src(%dma_wait3A_11 : memref<10320xf32, #tpu.memory_space<hbm>>) dst(%arg8 : memref<10320xf32, #tpu.memory_space<vmem>>)
    %parallel_loop3A_12 = arith.constant 0 : i32
    %parallel_loop3A_13 = arith.constant 645 : i32
    %parallel_loop3A_14 = arith.constant 1 : i32
    scf.for %parallel_loop3A_27 = %parallel_loop3A_12 to %parallel_loop3A_13 step %parallel_loop3A_14  : i32 {
      %parallel_loop3A_28 = arith.constant 16 : i32
      %parallel_loop3A_29 = arith.muli %parallel_loop3A_27, %parallel_loop3A_28 : i32
      %parallel_loop3A_30 = arith.index_cast %parallel_loop3A_29 : i32 to index
      %parallel_loop3A_31 = tpu.vector_load %arg7[%parallel_loop3A_30] {strides = array<i32>} : memref<10320xi32, #tpu.memory_space<vmem>>, vector<16xi32>,
      %parallel_loop3A_32 = arith.constant 14 : i32
      %parallel_loop3A_33 = vector.broadcast %parallel_loop3A_32 : i32 to vector<16xi32>
      %parallel_loop3A_34 = arith.shrui %parallel_loop3A_31, %parallel_loop3A_33 : vector<16xi32>
      %parallel_loop3A_35 = arith.constant 16383 : i32
      %parallel_loop3A_36 = vector.broadcast %parallel_loop3A_35 : i32 to vector<16xi32>
      %parallel_loop3A_37 = arith.andi %parallel_loop3A_31, %parallel_loop3A_36 : vector<16xi32>
      %parallel_loop3A_38 = arith.index_cast %parallel_loop3A_29 : i32 to index
      %parallel_loop3A_39 = tpu.vector_load %arg8[%parallel_loop3A_38] {strides = array<i32>} : memref<10320xf32, #tpu.memory_space<vmem>>, vector<16xf32>,
      %parallel_loop3A_40 = arith.constant 0 : i32
      %parallel_loop3A_41 = vector.broadcast %parallel_loop3A_40 : i32 to vector<16xi32>
      %parallel_loop3A_42 = arith.addi %parallel_loop3A_34, %parallel_loop3A_41 : vector<16xi32>
      %parallel_loop3A_43 = tpu.vector_load_idx %arg6[%parallel_loop3A_42] : memref<40960xf32, #tpu.memory_space<vmem>>[vector<16xi32>], vector<16xf32>,
      %parallel_loop3A_44 = arith.constant 0 : i32
      %parallel_loop3A_45 = vector.broadcast %parallel_loop3A_44 : i32 to vector<16xi32>
      %parallel_loop3A_46 = arith.addi %parallel_loop3A_37, %parallel_loop3A_45 : vector<16xi32>
      %parallel_loop3A_47 = arith.mulf %parallel_loop3A_43, %parallel_loop3A_39 : vector<16xf32>
      tpu.vector_store_idx %arg9[%parallel_loop3A_46], %parallel_loop3A_47 {add = true} : memref<40960xf32, #tpu.memory_space<vmem>>[vector<16xi32>], vector<16xf32>,
      %parallel_loop3A_48 = arith.constant 10240 : i32
      %parallel_loop3A_49 = vector.broadcast %parallel_loop3A_48 : i32 to vector<16xi32>
      %parallel_loop3A_50 = arith.addi %parallel_loop3A_34, %parallel_loop3A_49 : vector<16xi32>
      %parallel_loop3A_51 = tpu.vector_load_idx %arg6[%parallel_loop3A_50] : memref<40960xf32, #tpu.memory_space<vmem>>[vector<16xi32>], vector<16xf32>,
      %parallel_loop3A_52 = arith.constant 10240 : i32
      %parallel_loop3A_53 = vector.broadcast %parallel_loop3A_52 : i32 to vector<16xi32>
      %parallel_loop3A_54 = arith.addi %parallel_loop3A_37, %parallel_loop3A_53 : vector<16xi32>
      %parallel_loop3A_55 = arith.mulf %parallel_loop3A_51, %parallel_loop3A_39 : vector<16xf32>
      tpu.vector_store_idx %arg9[%parallel_loop3A_54], %parallel_loop3A_55 {add = true} : memref<40960xf32, #tpu.memory_space<vmem>>[vector<16xi32>], vector<16xf32>,
      %parallel_loop3A_56 = arith.constant 20480 : i32
      %parallel_loop3A_57 = vector.broadcast %parallel_loop3A_56 : i32 to vector<16xi32>
      %parallel_loop3A_58 = arith.addi %parallel_loop3A_34, %parallel_loop3A_57 : vector<16xi32>
      %parallel_loop3A_59 = tpu.vector_load_idx %arg6[%parallel_loop3A_58] : memref<40960xf32, #tpu.memory_space<vmem>>[vector<16xi32>], vector<16xf32>,
      %parallel_loop3A_60 = arith.constant 20480 : i32
      %parallel_loop3A_61 = vector.broadcast %parallel_loop3A_60 : i32 to vector<16xi32>
      %parallel_loop3A_62 = arith.addi %parallel_loop3A_37, %parallel_loop3A_61 : vector<16xi32>
      %parallel_loop3A_63 = arith.mulf %parallel_loop3A_59, %parallel_loop3A_39 : vector<16xf32>
      tpu.vector_store_idx %arg9[%parallel_loop3A_62], %parallel_loop3A_63 {add = true} : memref<40960xf32, #tpu.memory_space<vmem>>[vector<16xi32>], vector<16xf32>,
      %parallel_loop3A_64 = arith.constant 30720 : i32
      %parallel_loop3A_65 = vector.broadcast %parallel_loop3A_64 : i32 to vector<16xi32>
      %parallel_loop3A_66 = arith.addi %parallel_loop3A_34, %parallel_loop3A_65 : vector<16xi32>
      %parallel_loop3A_67 = tpu.vector_load_idx %arg6[%parallel_loop3A_66] : memref<40960xf32, #tpu.memory_space<vmem>>[vector<16xi32>], vector<16xf32>,
      %parallel_loop3A_68 = arith.constant 30720 : i32
      %parallel_loop3A_69 = vector.broadcast %parallel_loop3A_68 : i32 to vector<16xi32>
      %parallel_loop3A_70 = arith.addi %parallel_loop3A_37, %parallel_loop3A_69 : vector<16xi32>
      %parallel_loop3A_71 = arith.mulf %parallel_loop3A_67, %parallel_loop3A_39 : vector<16xf32>
      tpu.vector_store_idx %arg9[%parallel_loop3A_70], %parallel_loop3A_71 {add = true} : memref<40960xf32, #tpu.memory_space<vmem>>[vector<16xi32>], vector<16xf32>,
    } {sc.loop_unroll_factor = 4 : i64, sc.parallel_access}
    %dma_start3A_15 = arith.constant 0 : i32
    %dma_start3A_16 = tpu.memref_slice %arg5[%add3A, %dma_start3A_15] : memref<32x40960xf32, #tpu.memory_space<hbm>> -> memref<1x40960xf32, #tpu.memory_space<hbm>>
    %dma_start3A_17 = tpu.memref_squeeze %dma_start3A_16 : memref<1x40960xf32, #tpu.memory_space<hbm>> -> memref<40960xf32, #tpu.memory_space<hbm>>
    %dma_start3A_18 = arith.constant 0 : i32
    %dma_start3A_19 = tpu.memref_slice %arg5[%add3A, %dma_start3A_18] : memref<32x40960xf32, #tpu.memory_space<hbm>> -> memref<1x40960xf32, #tpu.memory_space<hbm>>
    %dma_start3A_20 = tpu.memref_squeeze %dma_start3A_19 : memref<1x40960xf32, #tpu.memory_space<hbm>> -> memref<40960xf32, #tpu.memory_space<hbm>>
    tpu.enqueue_dma source(%arg9 : memref<40960xf32, #tpu.memory_space<vmem>>) target(%dma_start3A_20 : memref<40960xf32, #tpu.memory_space<hbm>>) target_semaphore(%arg10 : memref<!tpu.dma_semaphore, #tpu.memory_space<semaphore_mem>>)
    %dma_wait3A_21 = arith.constant 0 : i32
    %dma_wait3A_22 = tpu.memref_slice %arg5[%add3A, %dma_wait3A_21] : memref<32x40960xf32, #tpu.memory_space<hbm>> -> memref<1x40960xf32, #tpu.memory_space<hbm>>
    %dma_wait3A_23 = tpu.memref_squeeze %dma_wait3A_22 : memref<1x40960xf32, #tpu.memory_space<hbm>> -> memref<40960xf32, #tpu.memory_space<hbm>>
    %dma_wait3A_24 = arith.constant 0 : i32
    %dma_wait3A_25 = tpu.memref_slice %arg5[%add3A, %dma_wait3A_24] : memref<32x40960xf32, #tpu.memory_space<hbm>> -> memref<1x40960xf32, #tpu.memory_space<hbm>>
    %dma_wait3A_26 = tpu.memref_squeeze %dma_wait3A_25 : memref<1x40960xf32, #tpu.memory_space<hbm>> -> memref<40960xf32, #tpu.memory_space<hbm>>
    tpu.wait_dma2 semaphore(%arg10 : memref<!tpu.dma_semaphore, #tpu.memory_space<semaphore_mem>>) src(%arg9 : memref<40960xf32, #tpu.memory_space<vmem>>) dst(%dma_wait3A_26 : memref<40960xf32, #tpu.memory_space<hbm>>)
    return
  }
}

module attributes {stable_mosaic.version = 14 : i64} {
  func.func @body(%arg0: memref<128x10240xf32, #tpu.memory_space<vmem>>, %arg1: memref<4x128xf32, #tpu.memory_space<vmem>>, %arg2: memref<32x10240xf32, #tpu.memory_space<vmem>>, %arg3: memref<4x10240xf32, #tpu.memory_space<vmem>>, %arg4: memref<10240xf32, #tpu.memory_space<vmem>>) attributes {dimension_semantics = [], scalar_prefetch = 0 : i64, scratch_operands = 0 : i64, tpu.core_type = #tpu.core_type<tc>} {
    %get3A = arith.constant 0 : index
    %get3A_0 = arith.constant 0 : index
    %get3A_1 = vector.load %arg2[%get3A, %get3A_0] : memref<32x10240xf32, #tpu.memory_space<vmem>>, vector<32x10240xf32>
    %reduce_sum3A = arith.constant dense<0.000000e+00> : vector<10240xf32>
    %reduce_sum3A_2 = vector.multi_reduction <add>, %get3A_1, %reduce_sum3A [0] : vector<32x10240xf32> to vector<10240xf32>
    %max3A = arith.constant 1.000000e+00 : f32
    %max3A_3 = vector.broadcast %max3A : f32 to vector<10240xf32>
    %max3A_4 = arith.maximumf %reduce_sum3A_2, %max3A_3 : vector<10240xf32>
    %rsqrt3A = math.rsqrt %max3A_4 : vector<10240xf32>
    %swap3A = arith.constant 0 : index
    %swap3A_5 = vector.load %arg4[%swap3A] : memref<10240xf32, #tpu.memory_space<vmem>>, vector<10240xf32>
    tpu.vector_store %arg4[%swap3A], %rsqrt3A {strides = array<i32>} : memref<10240xf32, #tpu.memory_space<vmem>>, vector<10240xf32>,
    %get3A_6 = arith.constant 0 : index
    %get3A_7 = arith.constant 0 : index
    %get3A_8 = vector.load %arg1[%get3A_6, %get3A_7] : memref<4x128xf32, #tpu.memory_space<vmem>>, vector<4x128xf32>
    %get3A_9 = arith.constant 0 : index
    %get3A_10 = arith.constant 0 : index
    %get3A_11 = vector.load %arg0[%get3A_9, %get3A_10] : memref<128x10240xf32, #tpu.memory_space<vmem>>, vector<128x10240xf32>
    %dot_general3A = arith.constant dense<0.000000e+00> : vector<4x10240xf32>
    %dot_general3A_12 = tpu.matmul %get3A_8, %get3A_11, %dot_general3A {dimension_numbers = #tpu.dot_dimension_numbers<[1], [0], [0], [1], [0, 0, 1, 1], [], []>, transpose_lhs_hint = false} : vector<4x128xf32>, vector<128x10240xf32>, vector<4x10240xf32> -> vector<4x10240xf32>
    %swap3A_13 = arith.constant 0 : index
    %swap3A_14 = arith.constant 0 : index
    %swap3A_15 = vector.load %arg3[%swap3A_13, %swap3A_14] : memref<4x10240xf32, #tpu.memory_space<vmem>>, vector<4x10240xf32>
    tpu.vector_store %arg3[%swap3A_13, %swap3A_14], %dot_general3A_12 {strides = array<i32>} : memref<4x10240xf32, #tpu.memory_space<vmem>>, vector<4x10240xf32>,
    return
  }
}

module attributes {stable_mosaic.version = 14 : i64} {
  func.func @body(%arg0: memref<32x4x10240xf32, #tpu.memory_space<vmem>>, %arg1: memref<4x1xf32, #tpu.memory_space<vmem>>, %arg2: memref<4x4xf32, #tpu.memory_space<vmem>>, %arg3: memref<4x10240xf32, #tpu.memory_space<vmem>>) attributes {dimension_semantics = [], scalar_prefetch = 0 : i64, scratch_operands = 0 : i64, tpu.core_type = #tpu.core_type<tc>} {
    %get3A = arith.constant 0 : index
    %get3A_0 = arith.constant 0 : index
    %get3A_1 = arith.constant 0 : index
    %get3A_2 = vector.load %arg0[%get3A, %get3A_0, %get3A_1] : memref<32x4x10240xf32, #tpu.memory_space<vmem>>, vector<32x4x10240xf32>
    %reduce_sum3A = arith.constant dense<0.000000e+00> : vector<4x10240xf32>
    %reduce_sum3A_3 = vector.multi_reduction <add>, %get3A_2, %reduce_sum3A [0] : vector<32x4x10240xf32> to vector<4x10240xf32>
    %get3A_4 = arith.constant 0 : index
    %get3A_5 = arith.constant 0 : index
    %get3A_6 = vector.load %arg1[%get3A_4, %get3A_5] : memref<4x1xf32, #tpu.memory_space<vmem>>, vector<4x1xf32>
    %add3A = vector.broadcast %get3A_6 : vector<4x1xf32> to vector<4x10240xf32>
    %add3A_7 = arith.addf %reduce_sum3A_3, %add3A : vector<4x10240xf32>
    %tanh3A = math.tanh %add3A_7 : vector<4x10240xf32>
    %get3A_8 = arith.constant 0 : index
    %get3A_9 = arith.constant 0 : index
    %get3A_10 = vector.load %arg2[%get3A_8, %get3A_9] : memref<4x4xf32, #tpu.memory_space<vmem>>, vector<4x4xf32>
    %dot_general3A = arith.constant dense<0.000000e+00> : vector<4x10240xf32>
    %dot_general3A_11 = tpu.matmul %get3A_10, %tanh3A, %dot_general3A {dimension_numbers = #tpu.dot_dimension_numbers<[1], [0], [0], [1], [0, 0, 1, 1], [], []>, transpose_lhs_hint = false} : vector<4x4xf32>, vector<4x10240xf32>, vector<4x10240xf32> -> vector<4x10240xf32>
    %swap3A = arith.constant 0 : index
    %swap3A_12 = arith.constant 0 : index
    %swap3A_13 = vector.load %arg3[%swap3A, %swap3A_12] : memref<4x10240xf32, #tpu.memory_space<vmem>>, vector<4x10240xf32>
    tpu.vector_store %arg3[%swap3A, %swap3A_12], %dot_general3A_11 {strides = array<i32>} : memref<4x10240xf32, #tpu.memory_space<vmem>>, vector<4x10240xf32>,
    return
  }
}

module attributes {stable_mosaic.version = 14 : i64} {
  func.func @body(%arg0: memref<32x4x10240xf32, #tpu.memory_space<vmem>>, %arg1: memref<4x1xf32, #tpu.memory_space<vmem>>, %arg2: memref<2x4xf32, #tpu.memory_space<vmem>>, %arg3: memref<2x10240xf32, #tpu.memory_space<vmem>>) attributes {dimension_semantics = [], scalar_prefetch = 0 : i64, scratch_operands = 0 : i64, tpu.core_type = #tpu.core_type<tc>} {
    %get3A = arith.constant 0 : index
    %get3A_0 = arith.constant 0 : index
    %get3A_1 = arith.constant 0 : index
    %get3A_2 = vector.load %arg0[%get3A, %get3A_0, %get3A_1] : memref<32x4x10240xf32, #tpu.memory_space<vmem>>, vector<32x4x10240xf32>
    %reduce_sum3A = arith.constant dense<0.000000e+00> : vector<4x10240xf32>
    %reduce_sum3A_3 = vector.multi_reduction <add>, %get3A_2, %reduce_sum3A [0] : vector<32x4x10240xf32> to vector<4x10240xf32>
    %get3A_4 = arith.constant 0 : index
    %get3A_5 = arith.constant 0 : index
    %get3A_6 = vector.load %arg1[%get3A_4, %get3A_5] : memref<4x1xf32, #tpu.memory_space<vmem>>, vector<4x1xf32>
    %add3A = vector.broadcast %get3A_6 : vector<4x1xf32> to vector<4x10240xf32>
    %add3A_7 = arith.addf %reduce_sum3A_3, %add3A : vector<4x10240xf32>
    %tanh3A = math.tanh %add3A_7 : vector<4x10240xf32>
    %get3A_8 = arith.constant 0 : index
    %get3A_9 = arith.constant 0 : index
    %get3A_10 = vector.load %arg2[%get3A_8, %get3A_9] : memref<2x4xf32, #tpu.memory_space<vmem>>, vector<2x4xf32>
    %dot_general3A = arith.constant dense<0.000000e+00> : vector<2x10240xf32>
    %dot_general3A_11 = tpu.matmul %get3A_10, %tanh3A, %dot_general3A {dimension_numbers = #tpu.dot_dimension_numbers<[1], [0], [0], [1], [0, 0, 1, 1], [], []>, transpose_lhs_hint = false} : vector<2x4xf32>, vector<4x10240xf32>, vector<2x10240xf32> -> vector<2x10240xf32>
    %swap3A = arith.constant 0 : index
    %swap3A_12 = arith.constant 0 : index
    %swap3A_13 = vector.load %arg3[%swap3A, %swap3A_12] : memref<2x10240xf32, #tpu.memory_space<vmem>>, vector<2x10240xf32>
    tpu.vector_store %arg3[%swap3A, %swap3A_12], %dot_general3A_11 {strides = array<i32>} : memref<2x10240xf32, #tpu.memory_space<vmem>>, vector<2x10240xf32>,
    return
  }
}

module attributes {stable_mosaic.version = 14 : i64} {
  func.func @body(%arg0: memref<32x2x10240xf32, #tpu.memory_space<vmem>>, %arg1: memref<2x1xf32, #tpu.memory_space<vmem>>, %arg2: memref<4x2xf32, #tpu.memory_space<vmem>>, %arg3: memref<4x1xf32, #tpu.memory_space<vmem>>, %arg4: memref<4x10240xf32, #tpu.memory_space<vmem>>, %arg5: memref<2x10240xf32, #tpu.memory_space<vmem>>) attributes {dimension_semantics = [], scalar_prefetch = 0 : i64, scratch_operands = 0 : i64, tpu.core_type = #tpu.core_type<tc>} {
    %get3A = arith.constant 0 : index
    %get3A_0 = arith.constant 0 : index
    %get3A_1 = arith.constant 0 : index
    %get3A_2 = vector.load %arg0[%get3A, %get3A_0, %get3A_1] : memref<32x2x10240xf32, #tpu.memory_space<vmem>>, vector<32x2x10240xf32>
    %reduce_sum3A = arith.constant dense<0.000000e+00> : vector<2x10240xf32>
    %reduce_sum3A_3 = vector.multi_reduction <add>, %get3A_2, %reduce_sum3A [0] : vector<32x2x10240xf32> to vector<2x10240xf32>
    %get3A_4 = arith.constant 0 : index
    %get3A_5 = arith.constant 0 : index
    %get3A_6 = vector.load %arg1[%get3A_4, %get3A_5] : memref<2x1xf32, #tpu.memory_space<vmem>>, vector<2x1xf32>
    %add3A = vector.broadcast %get3A_6 : vector<2x1xf32> to vector<2x10240xf32>
    %add3A_7 = arith.addf %reduce_sum3A_3, %add3A : vector<2x10240xf32>
    %tanh3A = math.tanh %add3A_7 : vector<2x10240xf32>
    %swap3A = arith.constant 0 : index
    %swap3A_8 = arith.constant 0 : index
    %swap3A_9 = vector.load %arg5[%swap3A, %swap3A_8] : memref<2x10240xf32, #tpu.memory_space<vmem>>, vector<2x10240xf32>
    tpu.vector_store %arg5[%swap3A, %swap3A_8], %tanh3A {strides = array<i32>} : memref<2x10240xf32, #tpu.memory_space<vmem>>, vector<2x10240xf32>,
    %get3A_10 = arith.constant 0 : index
    %get3A_11 = arith.constant 0 : index
    %get3A_12 = vector.load %arg2[%get3A_10, %get3A_11] : memref<4x2xf32, #tpu.memory_space<vmem>>, vector<4x2xf32>
    %dot_general3A = arith.constant dense<0.000000e+00> : vector<4x10240xf32>
    %dot_general3A_13 = tpu.matmul %get3A_12, %tanh3A, %dot_general3A {dimension_numbers = #tpu.dot_dimension_numbers<[1], [0], [0], [1], [0, 0, 1, 1], [], []>, transpose_lhs_hint = false} : vector<4x2xf32>, vector<2x10240xf32>, vector<4x10240xf32> -> vector<4x10240xf32>
    %get3A_14 = arith.constant 0 : index
    %get3A_15 = arith.constant 0 : index
    %get3A_16 = vector.load %arg3[%get3A_14, %get3A_15] : memref<4x1xf32, #tpu.memory_space<vmem>>, vector<4x1xf32>
    %add3A_17 = vector.broadcast %get3A_16 : vector<4x1xf32> to vector<4x10240xf32>
    %add3A_18 = arith.addf %dot_general3A_13, %add3A_17 : vector<4x10240xf32>
    %swap3A_19 = arith.constant 0 : index
    %swap3A_20 = arith.constant 0 : index
    %swap3A_21 = vector.load %arg4[%swap3A_19, %swap3A_20] : memref<4x10240xf32, #tpu.memory_space<vmem>>, vector<4x10240xf32>
    tpu.vector_store %arg4[%swap3A_19, %swap3A_20], %add3A_18 {strides = array<i32>} : memref<4x10240xf32, #tpu.memory_space<vmem>>, vector<4x10240xf32>,
    return
  }
}

</mosaic_0001>

<sc_bundles>
// kernel: kernel.10.cloned.1.call-start
scs
__scs_entry_jumppad:
0x0: {  	(pc) =	sbr.rel $0x88, $3  }
0x1: {  	(tag) =	ssettag $0x0;
	lr =	simm.s32 $0x1  }
0x2: {  	[smem:$0x3F97] =	sst lr;
	_ =	strace $0xD0000000  }
0x3: {  	_ = 	snop  }
0x4: {  	_ = 	snop  }
0x5: {  	_ = 	snop  }
0x6: {  	_ = 	snop  }
0x7: {  	_ = 	snop  }
__scs_overlays_trampoline_lowered:
0x8: {  	[smem:$0x3FA6] =	sst s0  }
0x9: {  	[smem:$0x3FA7] =	sst s1  }
0xa: {  	[smem:$0x3FA8] =	sst s2  }
0xb: {  	[smem:$0x3FA9] =	sst s3  }
0xc: {  	[smem:$0x3FAA] =	sst s4  }
0xd: {  	[smem:$0x3FAB] =	sst s5  }
0xe: {  	[smem:$0x3FAC] =	sst s6  }
0xf: {  	[smem:$0x3FAD] =	sst s7  }
0x10: {  	[smem:$0x3FAE] =	sst s8  }
0x11: {  	[smem:$0x3FAF] =	sst s9;
	s0 =	simm.s32 @!p0 $0x0  }
0x12: {  	s1 =	sld [smem:$0x3F95];
	s0 =	simm.s32 @p0 $0x1  }
0x13: {  	[smem:$0x3FB0] =	sst s0;
	s0 =	simm.s32 @!p1 $0x0  }
0x14: {  	s2 =	sld [smem:$0x3F94];
	s0 =	simm.s32 @p1 $0x1  }
0x15: {  	[smem:$0x3FB1] =	sst s0;
	s0 =	simm.s32 @!p2 $0x0  }
0x16: {  	s3 =	sld [smem:$0x3FDB];
	s0 =	simm.s32 @p2 $0x1  }
0x17: {  	s4 =	simm.s32 $0x1BF5;
	[smem:$0x3FB3] =	sst s0  }
0x18: {  	s0 =	sld [smem:$0x3F96];
	_ =	swait.ge [sflag:s4], $0x0  }
0x19: {  	s7 =	sld [smem:$0x3F97]  }
0x1a: {  	s8 =	sadd.s32 $0xFFFFE003, lr  }
0x1b: {  	s9 =	sadd.s32 $0xFFFFFEF7, lr;
	s5 =	simm.s32 $0xFFFFFFFF;
	p2 =	slt.u32 s8, $0xFFFFF086  }
0x1c: {  	p1 =	slt.u32 s9, $0xF7A;
	s5 =	simm.s32 @!p2 $0x0  }
0x1d: {  	s5 =	simm.s32 @p1 $0x1;
	p0 =	seq.s32 s7, s2  }
0x1e: {  	s7 =	smul.u32 @!p0 $0xF7A, s2;
	p2 =	seq.s32 @!p0 s5, $0x0  }
0x1f: {  	s9 =	smul.u32 $0xF7A, s1;
	s8 =	simm.s32 @!p0 $0x1BF5;
	p2 =	por !p2, p0  }
0x20: {  	[sflag:s8] =	ssyncset.s32 @!p0 $0xFFFFF086;
	s6 =	sadd.s32 @!p0 s3, s7;
	s7 =	simm.s32 @!p0 $0x108  }
0x21: {  	s3 =	sadd.s32 s3, s9;
	s6 =	sadd.s32 @!p0 $0x88, s6;
	s7 =	simm.s32 @p2 $0x1082  }
0x22: {  	[simem:s7], [sflag:s8] =	dma.local @!p0 [hbm:s6], $0xF7A  }
0x23: {  	s9 =	sor.u32 $0xD0000000, s2;
	s6 =	simm.s32 $0x108;
	_ =	swait.ge @!p0 [sflag:s8], $0x0  }
0x24: {  	s3 =	sadd.s32 $0x88, s3;
	s6 =	simm.s32 @!p1 $0x1082;
	[sflag:s4] =	ssyncset.s32 $0xFFFFF086  }
0x25: {  	[simem:s6], [sflag:s4] =	dma.local [hbm:s3], $0xF7A  }
0x26: {  	[smem:$0x3F97] =	sst s1;
	(tag) =	ssettag s2;
	_ =	strace s9  }
0x27: {  	s1 =	sld [smem:$0x3FA7]  }
0x28: {  	s2 =	sld [smem:$0x3FA8]  }
0x29: {  	s4 =	sld [smem:$0x3FAA]  }
0x2a: {  	p0 =	seq.s32 s5, $0x0;
	s5 =	sld [smem:$0x3FAB]  }
0x2b: {  	s6 =	sld [smem:$0x3FAC]  }
0x2c: {  	s7 =	sld [smem:$0x3FAD]  }
0x2d: {  	s3 =	simm.s32 $0x108;
	s8 =	sld [smem:$0x3FAE]  }
0x2e: {  	s3 =	simm.s32 @!p0 $0x1082;
	s9 =	sld [smem:$0x3FAF]  }
0x2f: {  	lr =	sadd.s32 s0, s3;
	s0 =	sld [smem:$0x3FA6]  }
0x30: {  	s3 =	sld [smem:$0x3FA9]  }
0x31: {  	[smem:$0x3FB2] =	sst s10  }
0x32: {  	s10 =	sld [smem:$0x3FB0];
	_ =	sdelay $0x3  }
0x33: {  	p0 =	seq.s32 s10, $0x1;
	s10 =	sld [smem:$0x3FB2];
	_ =	sdelay $0x3  }
0x34: {  	[smem:$0x3FB2] =	sst s10  }
0x35: {  	s10 =	sld [smem:$0x3FB1];
	_ =	sdelay $0x3  }
0x36: {  	p1 =	seq.s32 s10, $0x1;
	s10 =	sld [smem:$0x3FB2];
	_ =	sdelay $0x3  }
0x37: {  	[smem:$0x3FB2] =	sst s10  }
0x38: {  	s10 =	sld [smem:$0x3FB3]  }
0x39: {  	_ = 	snop;
	(pc) =	sbr.ind lr, $3  }
0x3a: {  	_ = 	snop  }
0x3b: {  	_ = 	snop  }
0x3c: {  	p2 =	seq.s32 s10, $0x1;
	s10 =	sld [smem:$0x3FB2]  }
0x3d: {  	_ =	shalt  }
0x3e: {  	_ =	shalt  }
0x3f: {  	_ =	shalt  }
0x40: {  	_ =	shalt  }
0x41: {  	_ =	shalt  }
0x42: {  	_ =	shalt  }
0x43: {  	_ =	shalt  }
0x44: {  	_ =	shalt  }
0x45: {  	_ =	shalt  }
0x46: {  	_ =	shalt  }
0x47: {  	_ =	shalt  }
0x48: {  	_ =	shalt  }
0x49: {  	_ =	shalt  }
0x4a: {  	_ =	shalt  }
0x4b: {  	_ =	shalt  }
0x4c: {  	_ =	shalt  }
0x4d: {  	_ =	shalt  }
0x4e: {  	_ =	shalt  }
0x4f: {  	_ =	shalt  }
0x50: {  	_ =	shalt  }
0x51: {  	_ =	shalt  }
0x52: {  	_ =	shalt  }
0x53: {  	_ =	shalt  }
0x54: {  	_ =	shalt  }
0x55: {  	_ =	shalt  }
0x56: {  	_ =	shalt  }
0x57: {  	_ =	shalt  }
0x58: {  	_ =	shalt  }
0x59: {  	_ =	shalt  }
0x5a: {  	_ =	shalt  }
0x5b: {  	_ =	shalt  }
0x5c: {  	_ =	shalt  }
0x5d: {  	_ =	shalt  }
0x5e: {  	_ =	shalt  }
0x5f: {  	_ =	shalt  }
0x60: {  	_ =	shalt  }
0x61: {  	_ =	shalt  }
0x62: {  	_ =	shalt  }
0x63: {  	_ =	shalt  }
0x64: {  	_ =	shalt  }
0x65: {  	_ =	shalt  }
0x66: {  	_ =	shalt  }
0x67: {  	_ =	shalt  }
0x68: {  	_ =	shalt  }
0x69: {  	_ =	shalt  }
0x6a: {  	_ =	shalt  }
0x6b: {  	_ =	shalt  }
0x6c: {  	_ =	shalt  }
0x6d: {  	_ =	shalt  }
0x6e: {  	_ =	shalt  }
0x6f: {  	_ =	shalt  }
0x70: {  	_ =	shalt  }
0x71: {  	_ =	shalt  }
0x72: {  	_ =	shalt  }
0x73: {  	_ =	shalt  }
0x74: {  	_ =	shalt  }
0x75: {  	_ =	shalt  }
0x76: {  	_ =	shalt  }
0x77: {  	_ =	shalt  }
0x78: {  	_ =	shalt  }
0x79: {  	_ =	shalt  }
0x7a: {  	_ =	shalt  }
0x7b: {  	_ =	shalt  }
0x7c: {  	_ =	shalt  }
0x7d: {  	_ =	shalt  }
0x7e: {  	_ =	shalt  }
0x7f: {  	_ =	shalt  }
0x80: {  	_ =	shalt  }
0x81: {  	_ =	shalt  }
0x82: {  	_ =	shalt  }
0x83: {  	_ =	shalt  }
0x84: {  	_ =	shalt  }
0x85: {  	_ =	shalt  }
0x86: {  	_ =	shalt  }
0x87: {  	_ =	shalt  }
.Lfunc_end0:
.L_simem_size_0:
called_computation_lowered:
.L_overlay_start_0:
0x88: {  	s2 =	sld [smem:$0x3FD9]  }
0x89: {  	s3 =	sld [smem:$0x3FFE];
	_ =	sdelay $0x1  }
0x8a: {  	s1 =	srdreg.scid  }
0x8b: {  	s0 =	sand.u32 $0x1, s1  }
0x8c: {  	s16 =	sshll.u32 s0, $0xA;
	s2 =	sadd.s32 s3, s2  }
0x8d: {  	s2 =	sadd.s32 s2, s16  }
0x8e: {  	[smem:$0x3FBE] =	sst s2  }
0x8f: {  	_ = 	snop  }
0x90: {  	(tm) =	ssettm $0x1  }
0x91: {  	s17 =	sld [smem:$0x3FFB];
	_ =	sdelay $0x3  }
0x92: {  	_ =	strace s17  }
0x93: {  	s2 =	sld [smem:$0x3FFC];
	_ =	sdelay $0x3  }
0x94: {  	_ =	strace s2  }
0x95: {  	s2 =	sld [smem:$0x3FFD];
	_ =	sdelay $0x3  }
0x96: {  	_ =	strace s2  }
0x97: {  	_ =	strace $0x8FFFFFFF  }
0x98: {  	s18 =	sld [smem:$0x3FDB];
	_ =	sdelay $0x1  }
0x99: {  	s19 =	simm.s32 $_scs_section_size  }
0x9a: {  	s4 =	simm.s32 $_size__tile_overlayer_lowered;
	s5 =	simm.s32 $_tile_overlayer_lowered  }
0x9b: {  	s22 =	simm.s32 $0x1BFF;
	s21 =	sshll.u32 s5, $0x1;
	s2 =	sadd.s32 s19, s18  }
0x9c: {  	s6 =	simm.s32 $0x0;
	s20 =	sshll.u32 s4, $0x1;
	s4 =	sadd.s32 s21, s2  }
0x9d: {  	[timem:s6], [sflag:s22] =	dma.local [hbm:s4], s20  }
0x9e: {  	_ =	swait.ge [sflag:s22], s20  }
0x9f: {  	s3 =	ssub.s32 $0x0, s20;
	[sflag:s22] =	ssyncset.done $0x0  }
0xa0: {  	[sflag:s22] =	ssyncadd.s32 s3;
	_ =	sdelay $0x1  }
0xa1: {  	s23 =	simm.s32 $0x1B8B  }
0xa2: {  	_ =	swait.ge [sflag:s23], $0x1  }
0xa3: {  	[sflag:s23] =	ssyncset.done $0x0  }
0xa4: {  	s25 =	simm.s32 $0x1B8E;
	s24 =	sld [smem:$0x3FFE];
	[sflag:s23] =	ssyncadd.s32 $0xFFFFFFFF  }
0xa5: {  	s26 =	simm.s32 $execute0_lowered;
	[smem:$0x3FD2] =	sst s25  }
0xa6: {  	s4 =	sshll.u32 s26, $0x1;
	_ =	strace $0x80000046;
	[dreg:$0x1] =	wrdreg $0xFFFFFFFF  }
0xa7: {  	s28 =	simm.s32 $_size_execute0_lowered;
	s2 =	sadd.s32 s2, s4;
	[dreg:$0x0] =	wrdreg $0x0  }
0xa8: {  	s4 =	sshll.u32 s28, $0x1;
	[dreg:$0x2] =	wrdreg s2  }
0xa9: {  	[dreg:$0x3] =	wrdreg s4  }
0xaa: {  	[dreg:$0x4] =	wrdreg $0xC0  }
0xab: {  	_ =	task [dreg:s6], $0x5FFFF  }
0xac: {  	[dreg:$0x1] =	wrdreg $0xFFFFFFFF  }
0xad: {  	[dreg:$0x0] =	wrdreg $0x60  }
0xae: {  	[dreg:$0x2] =	wrdreg s24  }
0xaf: {  	[dreg:$0x3] =	wrdreg $0x9  }
0xb0: {  	_ =	task.clear_ibuf [dreg:s6], $0x4FFFF;
	_ =	strace $0x90000046  }
0xb1: {  	s29 =	simm.s32 $0x9;
	_ =	strace $0x80000048  }
0xb2: {  	_ =	swait.ge [sflag:s29], $0x1  }
0xb3: {  	[sflag:s29] =	ssyncadd.s32 $0xFFFFFFFF  }
0xb4: {  	_ =	strace $0x90000048  }
0xb5: {  	_ =	sfence  }
0xb6: {  	s30 =	sld [smem:$0x0];
	_ =	sdelay $0x2  }
0xb7: {  	s31 =	sshll.u32 s1, $0xD;
	s1 =	sshrl.u32 s1, $0x2  }
0xb8: {  	s3 =	sand.u32 $0x4000, s31;
	s1 =	sadd.s32 s1, s30  }
0xb9: {  	s0 =	sor.u32 s3, s0;
	s1 =	sshll.u32 s1, $0x11  }
0xba: {  	s0 =	sor.u32 s1, s0  }
0xbb: {  	s0 =	sadd.s32 $0x8F2B, s0  }
0xbc: {  	[sflag:s0] =	ssyncadd.remote.s32 $0x1  }
0xbd: {  	_ =	sfence.sel $0xFFFF  }
0xbe: {  	[dreg:$0x0] =	wrdreg $0xFFFFFFFF;
	(pc) =	sbr.abs _section_cstart, $3  }
0xbf: {  	[dreg:$0x1] =	wrdreg $0xFFFFFFFF  }
0xc0: {  	_ =	task.clear_ibuf [dreg:s6], $0x2FFFF;
	_ =	strace $0x9FFFFFFF  }
0xc1: {  	(tm) =	ssettm $0x7FFFFFFF  }
tec
execute0_lowered:
.L_overlay_start_1:
0x0: {  	(tag) =	ssettag $0x1  }
0x1: {  	s0 =	srdreg.scid  }
0x2: {  	s5 =	rddreg [dreg:$0x0];
	s3 =	sand.u32 $0x1, s0  }
0x3: {  	s2 =	simm.s32 $0x0;
	s0 =	stileid.u32;
	s1 =	sshll.u32 s3, $0x4  }
0x4: {  	s8 =	simm.s32 $0x80;
	s9 =	simm.s32 $0x400;
	s4 =	sor.u32 s0, s1  }
0x5: {  	s10 =	simm.s32 $0x0;
	[smem:$0x7FF] =	sst s2;
	s1 =	sshrl.u32 s4, $0x3  }
0x6: {  	s7 =	sshll.u32 s0, $0x7;
	s3 =	ssub.s32 $0x2, s3;
	s6 =	smul.u32 $0x14000, s1  }
0x7: {  	s7 =	sand.u32 $0x380, s7;
	s31 =	sshrl.u32 s3, $0x1;
	s4 =	smul.u32 $0x50A, s4  }
0x8: {  	s1 =	rddreg [dreg:$0x1];
	_ =	strace $0x80000047;
	s6 =	sor.u32 s7, s6  }
0x9: {  	s4 =	sadd.s32 s4, s5;
	s7 =	simm.s32 $0x2880;
	s6 =	sshrl.u32 s6, $0x3  }
0xa: {  	s5 =	sadd.s32 s6, s5;
	s6 =	ssub.s32 s3, s31;
	s3 =	sadd.s32 $0x2600, s4  }
0xb: {  	v0 =	vimm.f32 $0.0e+00;
	v1 =	vimm.f32 $1.000000000e+00;
	s4 =	sadd.s32 $0xC800, s5;
	s5 =	smax.u32 s6, $0x1;
	s6 =	simm.s32 $0x1  }
.LBB2_1:
0xc: {  	[tilespmem:s2], [sflag:$0x1] =	stream.linear.gather [hbm4b:s3+s2], $0x2850, $0x38;
	[tilespmem:$0x5080] =	vst v63  }
0xd: {  	s11 =	simm.s32 $0x28C0  }
0xe: {  	[tilespmem:s11+$0xFFFFFFC0] =	vst v0  }
0xf: {  	[tilespmem:s11+$0x30] =	vst v0  }
0x10: {  	[tilespmem:s11+$0x20] =	vst v0  }
0x11: {  	[tilespmem:s11+$0x10] =	vst v0  }
0x12: {  	[tilespmem:s11+$0x0] =	vst v0  }
0x13: {  	[tilespmem:s11+$0xFFFFFFF0] =	vst v0  }
0x14: {  	s12 =	simm.s32 $0x0;
	[tilespmem:s11+$0xFFFFFFE0] =	vst v0  }
.LBB2_2:
0x15: {  	s12 =	sadd.s32 $0x8, s12;
	[tilespmem:s11+$0xFFFFFFD0] =	vst v0;
	s11 =	sadd.s32 $0x80, s11  }
0x16: {  	[tilespmem:s11+$0xFFFFFFC0] =	vst v0;
	p0 =	slt.u32 s12, $0x278  }
0x17: {  	[tilespmem:s11+$0x30] =	vst v0  }
.Ltmp0:
0x18: {  	[tilespmem:s11+$0x20] =	vst v0;
	(pc) =	sbr.rel @p0 .LBB2_2-.Ltmp0, $4  }
0x19: {  	[tilespmem:s11+$0x10] =	vst v0  }
0x1a: {  	[tilespmem:s11+$0x0] =	vst v0  }
0x1b: {  	[tilespmem:s11+$0xFFFFFFF0] =	vst v0  }
0x1c: {  	[tilespmem:s11+$0xFFFFFFE0] =	vst v0  }
0x1d: {  	[tilespmem:s11+$0xFFFFFFD0] =	vst v0  }
0x1e: {  	_ =	swait.ge [sflag:s6], $0x2850  }
0x1f: {  	[sflag:s6] =	ssyncset.done $0x0  }
0x20: {  	s12 =	simm.s32 $0x20;
	[sflag:s6] =	ssyncadd.s32 $0xFFFFD7B0  }
0x21: {  	v2 =	vld [tilespmem:s12+$0x10];
	_ =	sdelay $0x1  }
0x22: {  	v6 =	vld [tilespmem:s12+$0xFFFFFFF0]  }
0x23: {  	v3 =	vld [tilespmem:s12+$0x0]  }
0x24: {  	v5 =	vld [tilespmem:s12+$0xFFFFFFE0]  }
0x25: {  	v4 =	vand.u32 $0x3FFF, v2;
	_ =	sdelay $0x1  }
0x26: {  	s11 =	simm.s32 $0x0;
	s12 =	simm.s32 $0x60;
	v2 =	vand.u32 $0x3FFF, v6  }
.LBB2_4:
0x27: {  	v6 =	vld [tilespmem:s12+$0x10];
	s11 =	sadd.s32 $0x4, s11;
	v7 =	vand.u32 $0x3FFF, v3  }
0x28: {  	v8 =	vld [tilespmem:s12+$0xFFFFFFF0];
	p0 =	slt.u32 s11, $0x280;
	v9 =	vand.u32 $0x3FFF, v5  }
0x29: {  	[tilespmem:v4+s7+$0x0] =	vst.idx.add.f32.msk $0xffff, v1  }
.Ltmp1:
0x2a: {  	v3 =	vld [tilespmem:s12+$0x0];
	(pc) =	sbr.rel @p0 .LBB2_4-.Ltmp1, $4  }
0x2b: {  	v5 =	vld [tilespmem:s12+$0xFFFFFFE0]  }
0x2c: {  	v4 =	vand.u32 $0x3FFF, v6;
	[tilespmem:v2+s7+$0x0] =	vst.idx.add.f32.msk $0xffff, v1  }
0x2d: {  	v2 =	vand.u32 $0x3FFF, v8;
	[tilespmem:v9+s7+$0x0] =	vst.idx.add.f32.msk $0xffff, v1  }
0x2e: {  	s12 =	sadd.s32 $0x40, s12;
	[tilespmem:v7+s7+$0x0] =	vst.idx.add.f32.msk $0xffff, v1  }
0x2f: {  	_ = 	snop  }
0x30: {  	v3 =	vand.u32 $0x3FFF, v3  }
0x31: {  	v5 =	vand.u32 $0x3FFF, v5;
	_ =	sdelay $0x1  }
0x32: {  	[tilespmem:v4+s7+$0x0] =	vst.idx.add.f32.msk $0xffff, v1  }
0x33: {  	[tilespmem:v2+s7+$0x0] =	vst.idx.add.f32.msk $0xffff, v1  }
0x34: {  	[tilespmem:v3+s7+$0x0] =	vst.idx.add.f32.msk $0xffff, v1  }
0x35: {  	[tilespmem:v5+s7+$0x0] =	vst.idx.add.f32.msk $0xffff, v1  }
0x36: {  	v2 =	vld [tilespmem:$0x2840];
	_ =	sdelay $0x4  }
0x37: {  	v2 =	vand.u32 $0x3FFF, v2;
	_ =	sdelay $0x2  }
0x38: {  	s10 =	sadd.s32 $0x1, s10  }
0x39: {  	p0 =	sne.s32 s10, s5  }
.Ltmp2:
0x3a: {  	[tilespmem:v2+s7+$0x0] =	vst.idx.add.f32.msk $0xffff, v1;
	(pc) =	sbr.rel @p0 .LBB2_1-.Ltmp2, $4  }
0x3b: {  	[hbm4b:s4+s8] =	stream.strided.scatter [tilespmem:s7], [sflag:$0x1], $0x2800, s9, s8, $0x38;
	[tilespmem:$0x5080] =	vst v63  }
0x3c: {  	_ =	swait.ge [sflag:s6], $0x2800  }
0x3d: {  	[sflag:s6] =	ssyncset.done $0x0  }
0x3e: {  	[sflag:s6] =	ssyncadd.s32 $0xFFFFD800  }
0x3f: {  	_ =	sfence.sel $0x180000  }
0x40: {  	[bflag:$0x0] =	sbarrier.arrive $0xFFFF  }
0x41: {  	p0 =	sne.s32 s0, $0x0;
	_ =	strace $0x90000047  }
0x42: {  	s0 =	sadd.s32 @!p0 $0x100000, s1;
	[bflag:$0x2] =	sbarrier.arrive $0xFFFF  }
0x43: {  	[sflag:s0] =	ssyncadd.tile.s32 @!p0 $0x1;
	_ =	shalt  }
.Lfunc_end2:
_tile_overlayer_lowered:
.L_overlay_start_2:
0x44: {  	(tag) =	ssettag $0x2  }
0x45: {  	s0 =	rddreg [dreg:$0x0];
	s2 =	stileid.u32  }
0x46: {  	s1 =	rddreg [dreg:$0x1];
	p0 =	sne.s32 s2, $0x0  }
0x47: {  	s3 =	rddreg [dreg:$0x2];
	[bflag:$0x3] =	sbarrier.arrive $0xFFFF;
	s2 =	simm.s32 @!p0 $0x1C02  }
0x48: {  	[timem:s3], [sflag:s2] =	dma.local @!p0 [hbm:s0], s1  }
0x49: {  	s0 =	simm.s32 @!p0 $0x2  }
0x4a: {  	_ =	swait.ge @!p0 [sflag:s0], s1  }
0x4b: {  	s1 =	ssub.s32 @!p0 $0x0, s1;
	[sflag:s0] =	ssyncset.done @!p0 $0x0  }
0x4c: {  	[sflag:s0] =	ssyncadd.s32 @!p0 s1  }
0x4d: {  	[bflag:$0x3] =	sbarrier.arrive $0xFFFF  }
0x4e: {  	_ =	shalt  }

// kernel: kernel.13.cloned.1.call-start
scs
__scs_entry_jumppad:
0x0: {  	(pc) =	sbr.rel $0x88, $3  }
0x1: {  	(tag) =	ssettag $0x0;
	lr =	simm.s32 $0x1  }
0x2: {  	[smem:$0x3F97] =	sst lr;
	_ =	strace $0xD0000000  }
0x3: {  	_ = 	snop  }
0x4: {  	_ = 	snop  }
0x5: {  	_ = 	snop  }
0x6: {  	_ = 	snop  }
0x7: {  	_ = 	snop  }
__scs_overlays_trampoline_lowered:
0x8: {  	[smem:$0x3FA6] =	sst s0  }
0x9: {  	[smem:$0x3FA7] =	sst s1  }
0xa: {  	[smem:$0x3FA8] =	sst s2  }
0xb: {  	[smem:$0x3FA9] =	sst s3  }
0xc: {  	[smem:$0x3FAA] =	sst s4  }
0xd: {  	[smem:$0x3FAB] =	sst s5  }
0xe: {  	[smem:$0x3FAC] =	sst s6  }
0xf: {  	[smem:$0x3FAD] =	sst s7  }
0x10: {  	[smem:$0x3FAE] =	sst s8  }
0x11: {  	[smem:$0x3FAF] =	sst s9;
	s0 =	simm.s32 @!p0 $0x0  }
0x12: {  	s1 =	sld [smem:$0x3F95];
	s0 =	simm.s32 @p0 $0x1  }
0x13: {  	[smem:$0x3FB0] =	sst s0;
	s0 =	simm.s32 @!p1 $0x0  }
0x14: {  	s2 =	sld [smem:$0x3F94];
	s0 =	simm.s32 @p1 $0x1  }
0x15: {  	[smem:$0x3FB1] =	sst s0;
	s0 =	simm.s32 @!p2 $0x0  }
0x16: {  	s3 =	sld [smem:$0x3FDB];
	s0 =	simm.s32 @p2 $0x1  }
0x17: {  	s4 =	simm.s32 $0x1BF5;
	[smem:$0x3FB3] =	sst s0  }
0x18: {  	s0 =	sld [smem:$0x3F96];
	_ =	swait.ge [sflag:s4], $0x0  }
0x19: {  	s7 =	sld [smem:$0x3F97]  }
0x1a: {  	s8 =	sadd.s32 $0xFFFFE003, lr  }
0x1b: {  	s9 =	sadd.s32 $0xFFFFFEF7, lr;
	s5 =	simm.s32 $0xFFFFFFFF;
	p2 =	slt.u32 s8, $0xFFFFF086  }
0x1c: {  	p1 =	slt.u32 s9, $0xF7A;
	s5 =	simm.s32 @!p2 $0x0  }
0x1d: {  	s5 =	simm.s32 @p1 $0x1;
	p0 =	seq.s32 s7, s2  }
0x1e: {  	s7 =	smul.u32 @!p0 $0xF7A, s2;
	p2 =	seq.s32 @!p0 s5, $0x0  }
0x1f: {  	s9 =	smul.u32 $0xF7A, s1;
	s8 =	simm.s32 @!p0 $0x1BF5;
	p2 =	por !p2, p0  }
0x20: {  	[sflag:s8] =	ssyncset.s32 @!p0 $0xFFFFF086;
	s6 =	sadd.s32 @!p0 s3, s7;
	s7 =	simm.s32 @!p0 $0x108  }
0x21: {  	s3 =	sadd.s32 s3, s9;
	s6 =	sadd.s32 @!p0 $0x88, s6;
	s7 =	simm.s32 @p2 $0x1082  }
0x22: {  	[simem:s7], [sflag:s8] =	dma.local @!p0 [hbm:s6], $0xF7A  }
0x23: {  	s9 =	sor.u32 $0xD0000000, s2;
	s6 =	simm.s32 $0x108;
	_ =	swait.ge @!p0 [sflag:s8], $0x0  }
0x24: {  	s3 =	sadd.s32 $0x88, s3;
	s6 =	simm.s32 @!p1 $0x1082;
	[sflag:s4] =	ssyncset.s32 $0xFFFFF086  }
0x25: {  	[simem:s6], [sflag:s4] =	dma.local [hbm:s3], $0xF7A  }
0x26: {  	[smem:$0x3F97] =	sst s1;
	(tag) =	ssettag s2;
	_ =	strace s9  }
0x27: {  	s1 =	sld [smem:$0x3FA7]  }
0x28: {  	s2 =	sld [smem:$0x3FA8]  }
0x29: {  	s4 =	sld [smem:$0x3FAA]  }
0x2a: {  	p0 =	seq.s32 s5, $0x0;
	s5 =	sld [smem:$0x3FAB]  }
0x2b: {  	s6 =	sld [smem:$0x3FAC]  }
0x2c: {  	s7 =	sld [smem:$0x3FAD]  }
0x2d: {  	s3 =	simm.s32 $0x108;
	s8 =	sld [smem:$0x3FAE]  }
0x2e: {  	s3 =	simm.s32 @!p0 $0x1082;
	s9 =	sld [smem:$0x3FAF]  }
0x2f: {  	lr =	sadd.s32 s0, s3;
	s0 =	sld [smem:$0x3FA6]  }
0x30: {  	s3 =	sld [smem:$0x3FA9]  }
0x31: {  	[smem:$0x3FB2] =	sst s10  }
0x32: {  	s10 =	sld [smem:$0x3FB0];
	_ =	sdelay $0x3  }
0x33: {  	p0 =	seq.s32 s10, $0x1;
	s10 =	sld [smem:$0x3FB2];
	_ =	sdelay $0x3  }
0x34: {  	[smem:$0x3FB2] =	sst s10  }
0x35: {  	s10 =	sld [smem:$0x3FB1];
	_ =	sdelay $0x3  }
0x36: {  	p1 =	seq.s32 s10, $0x1;
	s10 =	sld [smem:$0x3FB2];
	_ =	sdelay $0x3  }
0x37: {  	[smem:$0x3FB2] =	sst s10  }
0x38: {  	s10 =	sld [smem:$0x3FB3]  }
0x39: {  	_ = 	snop;
	(pc) =	sbr.ind lr, $3  }
0x3a: {  	_ = 	snop  }
0x3b: {  	_ = 	snop  }
0x3c: {  	p2 =	seq.s32 s10, $0x1;
	s10 =	sld [smem:$0x3FB2]  }
0x3d: {  	_ =	shalt  }
0x3e: {  	_ =	shalt  }
0x3f: {  	_ =	shalt  }
0x40: {  	_ =	shalt  }
0x41: {  	_ =	shalt  }
0x42: {  	_ =	shalt  }
0x43: {  	_ =	shalt  }
0x44: {  	_ =	shalt  }
0x45: {  	_ =	shalt  }
0x46: {  	_ =	shalt  }
0x47: {  	_ =	shalt  }
0x48: {  	_ =	shalt  }
0x49: {  	_ =	shalt  }
0x4a: {  	_ =	shalt  }
0x4b: {  	_ =	shalt  }
0x4c: {  	_ =	shalt  }
0x4d: {  	_ =	shalt  }
0x4e: {  	_ =	shalt  }
0x4f: {  	_ =	shalt  }
0x50: {  	_ =	shalt  }
0x51: {  	_ =	shalt  }
0x52: {  	_ =	shalt  }
0x53: {  	_ =	shalt  }
0x54: {  	_ =	shalt  }
0x55: {  	_ =	shalt  }
0x56: {  	_ =	shalt  }
0x57: {  	_ =	shalt  }
0x58: {  	_ =	shalt  }
0x59: {  	_ =	shalt  }
0x5a: {  	_ =	shalt  }
0x5b: {  	_ =	shalt  }
0x5c: {  	_ =	shalt  }
0x5d: {  	_ =	shalt  }
0x5e: {  	_ =	shalt  }
0x5f: {  	_ =	shalt  }
0x60: {  	_ =	shalt  }
0x61: {  	_ =	shalt  }
0x62: {  	_ =	shalt  }
0x63: {  	_ =	shalt  }
0x64: {  	_ =	shalt  }
0x65: {  	_ =	shalt  }
0x66: {  	_ =	shalt  }
0x67: {  	_ =	shalt  }
0x68: {  	_ =	shalt  }
0x69: {  	_ =	shalt  }
0x6a: {  	_ =	shalt  }
0x6b: {  	_ =	shalt  }
0x6c: {  	_ =	shalt  }
0x6d: {  	_ =	shalt  }
0x6e: {  	_ =	shalt  }
0x6f: {  	_ =	shalt  }
0x70: {  	_ =	shalt  }
0x71: {  	_ =	shalt  }
0x72: {  	_ =	shalt  }
0x73: {  	_ =	shalt  }
0x74: {  	_ =	shalt  }
0x75: {  	_ =	shalt  }
0x76: {  	_ =	shalt  }
0x77: {  	_ =	shalt  }
0x78: {  	_ =	shalt  }
0x79: {  	_ =	shalt  }
0x7a: {  	_ =	shalt  }
0x7b: {  	_ =	shalt  }
0x7c: {  	_ =	shalt  }
0x7d: {  	_ =	shalt  }
0x7e: {  	_ =	shalt  }
0x7f: {  	_ =	shalt  }
0x80: {  	_ =	shalt  }
0x81: {  	_ =	shalt  }
0x82: {  	_ =	shalt  }
0x83: {  	_ =	shalt  }
0x84: {  	_ =	shalt  }
0x85: {  	_ =	shalt  }
0x86: {  	_ =	shalt  }
0x87: {  	_ =	shalt  }
.Lfunc_end0:
.L_simem_size_0:
called_computation.1_lowered:
.L_overlay_start_0:
0x88: {  	s2 =	sld [smem:$0x3FD9]  }
0x89: {  	s3 =	sld [smem:$0x3FFE];
	_ =	sdelay $0x1  }
0x8a: {  	s1 =	srdreg.scid  }
0x8b: {  	s0 =	sand.u32 $0x1, s1  }
0x8c: {  	s14 =	sshll.u32 s0, $0xA;
	s2 =	sadd.s32 s3, s2  }
0x8d: {  	s2 =	sadd.s32 s2, s14  }
0x8e: {  	[smem:$0x3FBE] =	sst s2  }
0x8f: {  	_ = 	snop  }
0x90: {  	s2 =	sld [smem:$0x3FD0];
	_ =	sdelay $0x2  }
0x91: {  	s15 =	simm.s32 $0xA;
	s4 =	simm.s32 $0x10  }
0x92: {  	[smem:s4], [sflag:s15] =	dma.local [hbm:s2], $0x1  }
0x93: {  	_ =	swait.eq [sflag:s15], $0x1  }
0x94: {  	[sflag:s15] =	ssyncset.done $0x0  }
0x95: {  	[sflag:s15] =	ssyncadd.s32 $0xFFFFFFFF  }
0x96: {  	s16 =	sld [smem:$0x11];
	(tm) =	ssettm $0x1  }
0x97: {  	s17 =	sld [smem:$0x3FFB];
	_ =	sdelay $0x3  }
0x98: {  	_ =	strace s17  }
0x99: {  	s3 =	sld [smem:$0x3FFC];
	_ =	sdelay $0x3  }
0x9a: {  	_ =	strace s3  }
0x9b: {  	s3 =	sld [smem:$0x3FFD];
	_ =	sdelay $0x3  }
0x9c: {  	_ =	strace s3  }
0x9d: {  	_ =	strace $0x8FFFFFFF  }
0x9e: {  	s18 =	sld [smem:$0x3FDB];
	_ =	sdelay $0x1  }
0x9f: {  	s19 =	simm.s32 $_scs_section_size  }
0xa0: {  	s5 =	simm.s32 $_size__tile_overlayer_lowered;
	s6 =	simm.s32 $_tile_overlayer_lowered  }
0xa1: {  	s22 =	simm.s32 $0x1BFF;
	s21 =	sshll.u32 s6, $0x1;
	s3 =	sadd.s32 s19, s18  }
0xa2: {  	s7 =	simm.s32 $0x0;
	s20 =	sshll.u32 s5, $0x1;
	s5 =	sadd.s32 s21, s3  }
0xa3: {  	[timem:s7], [sflag:s22] =	dma.local [hbm:s5], s20  }
0xa4: {  	_ =	swait.ge [sflag:s22], s20  }
0xa5: {  	s4 =	ssub.s32 $0x0, s20;
	[sflag:s22] =	ssyncset.done $0x0  }
0xa6: {  	[sflag:s22] =	ssyncadd.s32 s4;
	_ =	sdelay $0x1  }
0xa7: {  	s23 =	simm.s32 $0x1B8B  }
0xa8: {  	_ =	swait.ge [sflag:s23], $0x1  }
0xa9: {  	[sflag:s23] =	ssyncset.done $0x0  }
0xaa: {  	s25 =	simm.s32 $0x1B8E;
	s24 =	sld [smem:$0x3FFE];
	[sflag:s23] =	ssyncadd.s32 $0xFFFFFFFF  }
0xab: {  	s26 =	simm.s32 $execute0_lowered;
	[smem:$0x3FD2] =	sst s25  }
0xac: {  	s5 =	sshll.u32 s26, $0x1;
	_ =	strace $0x80000049;
	[dreg:$0x1] =	wrdreg $0xFFFFFFFF  }
0xad: {  	s28 =	simm.s32 $_size_execute0_lowered;
	s3 =	sadd.s32 s3, s5;
	[dreg:$0x0] =	wrdreg $0x0  }
0xae: {  	s5 =	sshll.u32 s28, $0x1;
	[dreg:$0x2] =	wrdreg s3  }
0xaf: {  	[dreg:$0x3] =	wrdreg s5  }
0xb0: {  	[dreg:$0x4] =	wrdreg $0xC0  }
0xb1: {  	_ =	task [dreg:s7], $0x5FFFF  }
0xb2: {  	[dreg:$0x1] =	wrdreg $0xFFFFFFFF  }
0xb3: {  	[dreg:$0x0] =	wrdreg $0x60  }
0xb4: {  	[dreg:$0x2] =	wrdreg s24  }
0xb5: {  	[dreg:$0x3] =	wrdreg s16  }
0xb6: {  	[dreg:$0x4] =	wrdreg $0x9  }
0xb7: {  	_ =	task.clear_ibuf [dreg:s7], $0x5FFFF;
	_ =	strace $0x90000049  }
0xb8: {  	s29 =	simm.s32 $0x9;
	_ =	strace $0x8000004B  }
0xb9: {  	_ =	swait.ge [sflag:s29], $0x1  }
0xba: {  	[sflag:s29] =	ssyncadd.s32 $0xFFFFFFFF  }
0xbb: {  	_ =	strace $0x9000004B  }
0xbc: {  	_ =	sfence  }
0xbd: {  	s30 =	sld [smem:$0x0];
	_ =	sdelay $0x2  }
0xbe: {  	s31 =	sshll.u32 s1, $0xD;
	s1 =	sshrl.u32 s1, $0x2  }
0xbf: {  	s3 =	sand.u32 $0x4000, s31;
	s1 =	sadd.s32 s1, s30  }
0xc0: {  	s0 =	sor.u32 s3, s0;
	s1 =	sshll.u32 s1, $0x11  }
0xc1: {  	s0 =	sor.u32 s1, s0  }
0xc2: {  	s0 =	sadd.s32 $0x8F2B, s0  }
0xc3: {  	[sflag:s0] =	ssyncadd.remote.s32 $0x1  }
0xc4: {  	_ =	sfence.sel $0xFFFF  }
0xc5: {  	[dreg:$0x0] =	wrdreg $0xFFFFFFFF;
	(pc) =	sbr.abs _section_cstart, $3  }
0xc6: {  	[dreg:$0x1] =	wrdreg $0xFFFFFFFF  }
0xc7: {  	_ =	task.clear_ibuf [dreg:s7], $0x2FFFF;
	_ =	strace $0x9FFFFFFF  }
0xc8: {  	(tm) =	ssettm $0x7FFFFFFF  }
0xc9: {  	_ =	shalt  }
tec
execute0_lowered:
.L_overlay_start_1:
0x0: {  	(tag) =	ssettag $0x1  }
0x1: {  	s5 =	rddreg [dreg:$0x0]  }
0x2: {  	s0 =	srdreg.scid;
	s2 =	rddreg [dreg:$0x1]  }
0x3: {  	s3 =	simm.s32 $0x0;
	s10 =	simm.s32 $0xF100;
	s11 =	simm.s32 $0x1  }
0x4: {  	s12 =	simm.s32 $0x11900;
	s13 =	simm.s32 $0xC880;
	s4 =	sand.u32 $0x1, s0  }
0x5: {  	s14 =	simm.s32 $0x80;
	s0 =	stileid.u32;
	s1 =	sshll.u32 s4, $0x4  }
0x6: {  	s15 =	simm.s32 $0x400;
	s16 =	simm.s32 $0x0;
	s6 =	sor.u32 s0, s1  }
0x7: {  	[smem:$0x7FF] =	sst s3;
	s8 =	sshll.u32 s0, $0x7;
	s7 =	sshrl.u32 s6, $0x3  }
0x8: {  	s31 =	ssub.s32 $0x2, s4;
	s4 =	sadd.s32 $0xC800, s5;
	s7 =	smul.u32 $0x50000, s7  }
0x9: {  	s1 =	rddreg [dreg:$0x2];
	s8 =	sand.u32 $0x380, s8;
	s6 =	smul.u32 $0x50A, s6  }
0xa: {  	_ =	strace $0x8000004A;
	s9 =	sshrl.u32 s31, $0x1;
	s7 =	sor.u32 s8, s7  }
0xb: {  	s6 =	sadd.s32 s6, s5;
	s8 =	ssub.s32 s31, s9;
	s7 =	sshrl.u32 s7, $0x3  }
0xc: {  	s9 =	simm.s32 $0xA000;
	s8 =	smax.u32 s8, $0x1;
	s7 =	sadd.s32 s7, s5  }
0xd: {  	v0 =	vimm.f32 $0.0e+00;
	s5 =	sadd.s32 $0x2600, s6;
	s6 =	sadd.s32 $0x35C00, s6;
	s7 =	sadd.s32 $0xDC00, s7  }
.LBB2_1:
0xe: {  	[tilespmem:s3], [sflag:$0x1] =	stream.linear.gather [hbm4b:s4+s3], $0xA000, $0x38;
	[tilespmem:$0x1B900] =	vst v63  }
0xf: {  	_ = 	snop  }
0x10: {  	[tilespmem:s9], [sflag:$0x1] =	stream.linear.gather [hbm4b:s5+s3], $0x2850, $0x38;
	[tilespmem:$0x1B900] =	vst v63  }
0x11: {  	s17 =	simm.s32 $0x11940  }
0x12: {  	[tilespmem:s10], [sflag:$0x1] =	stream.linear.gather [hbm4b:s2+s3], $0x2800, $0x38;
	[tilespmem:$0x1B900] =	vst v63  }
0x13: {  	[tilespmem:s17+$0xFFFFFFC0] =	vst v0  }
0x14: {  	[tilespmem:s17+$0x30] =	vst v0  }
0x15: {  	[tilespmem:s17+$0x20] =	vst v0  }
0x16: {  	[tilespmem:s17+$0x10] =	vst v0  }
0x17: {  	[tilespmem:s17+$0x0] =	vst v0  }
0x18: {  	[tilespmem:s17+$0xFFFFFFF0] =	vst v0  }
0x19: {  	s18 =	simm.s32 $0x0;
	[tilespmem:s17+$0xFFFFFFE0] =	vst v0  }
.LBB2_2:
0x1a: {  	s18 =	sadd.s32 $0x8, s18;
	[tilespmem:s17+$0xFFFFFFD0] =	vst v0;
	s17 =	sadd.s32 $0x80, s17  }
0x1b: {  	[tilespmem:s17+$0xFFFFFFC0] =	vst v0;
	p0 =	slt.u32 s18, $0x9F8  }
0x1c: {  	[tilespmem:s17+$0x30] =	vst v0  }
.Ltmp0:
0x1d: {  	[tilespmem:s17+$0x20] =	vst v0;
	(pc) =	sbr.rel @p0 .LBB2_2-.Ltmp0, $4  }
0x1e: {  	[tilespmem:s17+$0x10] =	vst v0  }
0x1f: {  	[tilespmem:s17+$0x0] =	vst v0  }
0x20: {  	[tilespmem:s17+$0xFFFFFFF0] =	vst v0  }
0x21: {  	[tilespmem:s17+$0xFFFFFFE0] =	vst v0  }
0x22: {  	[tilespmem:s17+$0xFFFFFFD0] =	vst v0  }
0x23: {  	_ =	swait.ge [sflag:s11], $0xA000  }
0x24: {  	[sflag:s11] =	ssyncset.done $0x0  }
0x25: {  	[sflag:s11] =	ssyncadd.s32 $0xFFFF6000  }
0x26: {  	_ =	swait.ge [sflag:s11], $0x2850  }
0x27: {  	[sflag:s11] =	ssyncset.done $0x0  }
0x28: {  	[sflag:s11] =	ssyncadd.s32 $0xFFFFD7B0  }
0x29: {  	_ =	swait.ge [sflag:s11], $0x2800  }
0x2a: {  	[sflag:s11] =	ssyncset.done $0x0  }
0x2b: {  	s31 =	simm.s32 $0xA020;
	[sflag:s11] =	ssyncadd.s32 $0xFFFFD800  }
0x2c: {  	v14 =	vld [tilespmem:s31+$0x10];
	_ =	sdelay $0x1  }
0x2d: {  	v13 =	vld [tilespmem:s31+$0xFFFFFFF0];
	_ =	sdelay $0x1  }
0x2e: {  	v15 =	vld [tilespmem:s31+$0xFFFFFFE0]  }
0x2f: {  	v2 =	vshrl.u32 v14, $0xE  }
0x30: {  	v9 =	vld [tilespmem:s31+$0x0];
	v6 =	vand.u32 $0x3FFF, v14  }
0x31: {  	v7 =	vshrl.u32 v13, $0xE  }
0x32: {  	v21 =	vand.u32 $0x3FFF, v13  }
0x33: {  	v16 =	vand.u32 $0x3FFF, v15;
	v5 =	vadd.s32 $0x2800, v2  }
0x34: {  	v4 =	vshrl.u32 v15, $0xE;
	v11 =	vand.u32 $0x7FF80, v5;
	v5 =	vadd.s32 $0x2800, v7;
	v1 =	vld.idx.msk [tilespmem:v2+s10+$0x0], $0xffff  }
0x35: {  	v23 =	vshrl.u32 v9, $0xE;
	v22 =	vand.u32 $0x7FF80, v5;
	v5 =	vadd.s32 $0x2800, v6;
	v3 =	vld.idx.msk [tilespmem:v6+s10+$0x0], $0xffff  }
0x36: {  	v20 =	vand.u32 $0x3FFF, v9;
	v17 =	vadd.s32 $0x2800, v23;
	v24 =	vand.u32 $0x7F80, v5;
	v5 =	vld.idx.msk [tilespmem:v7+s10+$0x0], $0xffff  }
0x37: {  	v30 =	vand.u32 $0x7FF80, v17;
	v17 =	vld.idx.msk [tilespmem:v21+s10+$0x0], $0xffff  }
0x38: {  	v8 =	vld.idx.msk [tilespmem:v16+s10+$0x0], $0xffff  }
0x39: {  	v12 =	vld.idx.msk [tilespmem:v4+s10+$0x0], $0xffff  }
0x3a: {  	v13 =	vand.u32 $0x7F, v13;
	v9 =	vand.u32 $0x7F, v9;
	v10 =	vadd.s32 $0x2800, v4  }
0x3b: {  	v15 =	vand.u32 $0x7F, v15;
	v19 =	vand.u32 $0x7FF80, v10;
	v10 =	vld.idx.msk [tilespmem:v20+s10+$0x0], $0xffff;
	v3 =	vmul.f32 v3, v1  }
0x3c: {  	s17 =	simm.s32 $0xC8A0;
	v26 =	vadd.s32 $0x5000, v2;
	v28 =	vadd.s32 $0x2800, v21;
	v25 =	vld.idx.msk [tilespmem:v23+s10+$0x0], $0xffff;
	v5 =	vmul.f32 v17, v5  }
0x3d: {  	v31 =	vadd.s32 $0x5000, v4;
	v32 =	vadd.s32 $0x5000, v7;
	v1 =	vadd.s32 $0x2800, v16;
	[tilespmem:s17+$0x10] =	vst v3  }
0x3e: {  	v46 =	vand.u32 $0x7F, v7;
	v33 =	vand.u32 $0x7F80, v1;
	v1 =	vmul.f32 v8, v12;
	[tilespmem:s17+$0xFFFFFFF0] =	vst v5;
	v27 =	vld.idx.msk [tilespmem:v2+s3+$0x0], $0xffff  }
0x3f: {  	v38 =	vadd.s32 $0x7800, v2;
	v45 =	vor.u32 v46, v22;
	v22 =	vand.u32 $0x7F, v14;
	v42 =	vld.idx.msk [tilespmem:v7+s3+$0x0], $0xffff  }
0x40: {  	v40 =	vand.u32 $0x7F, v2;
	v14 =	vor.u32 v22, v24;
	v24 =	vand.u32 $0x7FF80, v26;
	[tilespmem:s17+$0xFFFFFFE0] =	vst v1  }
0x41: {  	s18 =	simm.s32 $0xA060;
	v26 =	vor.u32 v40, v24;
	v8 =	vadd.s32 $0x5000, v21;
	v2 =	vmul.f32 v10, v25;
	v39 =	vld.idx.msk [tilespmem:v4+s3+$0x0], $0xffff  }
0x42: {  	v24 =	vld [tilespmem:s18+$0x10];
	v36 =	vand.u32 $0xFF80, v8;
	v8 =	vadd.s32 $0x5000, v16;
	v25 =	vor.u32 v40, v11  }
0x43: {  	v29 =	vand.u32 $0x7F, v4;
	v41 =	vand.u32 $0xFF80, v8;
	v8 =	vld [tilespmem:s18+$0x0];
	[tilespmem:s17+$0x0] =	vst v2;
	v27 =	vmul.f32 v27, v3  }
0x44: {  	v34 =	vadd.s32 $0x5000, v23;
	v19 =	vor.u32 v29, v19;
	v44 =	vld.idx.msk [tilespmem:v23+s3+$0x0], $0xffff;
	v55 =	vmul.f32 v42, v5  }
0x45: {  	v35 =	vadd.s32 $0x5000, v6;
	v18 =	vadd.s32 $0x7800, v4;
	v43 =	vadd.s32 $0x7800, v7;
	[tilespmem:v6+s12+$0x0] =	vst.idx.add.f32.msk $0xffff, v27  }
0x46: {  	v43 =	vand.u32 $0x7FF80, v43;
	v28 =	vand.u32 $0x7F80, v28;
	v39 =	vmul.f32 v39, v1;
	[tilespmem:v21+s12+$0x0] =	vst.idx.add.f32.msk $0xffff, v55  }
0x47: {  	v57 =	vand.u32 $0x7FF80, v38;
	v31 =	vand.u32 $0x7FF80, v31;
	v28 =	vor.u32 v13, v28;
	v54 =	vld.idx.msk [tilespmem:v25+s3+$0x0], $0xffff  }
0x48: {  	v17 =	vadd.s32 $0x5000, v20;
	v12 =	vadd.s32 $0x2800, v20;
	[tilespmem:v16+s12+$0x0] =	vst.idx.add.f32.msk $0xffff, v39;
	v25 =	vand.u32 $0x7F, v23  }
0x49: {  	v10 =	vadd.s32 $0x7800, v23;
	v7 =	vadd.s32 $0x7800, v16;
	v16 =	vld.idx.msk [tilespmem:v19+s3+$0x0], $0xffff;
	v23 =	vor.u32 v25, v30  }
0x4a: {  	v37 =	vand.u32 $0x7F80, v12;
	v33 =	vor.u32 v15, v33;
	v11 =	vadd.s32 $0x7800, v6;
	v30 =	vld.idx.msk [tilespmem:v45+s3+$0x0], $0xffff  }
0x4b: {  	v56 =	vor.u32 v9, v37;
	v4 =	vadd.s32 $0x7800, v21;
	v21 =	vmul.f32 v44, v2;
	v19 =	vld [tilespmem:s18+$0xFFFFFFE0]  }
0x4c: {  	v12 =	vld [tilespmem:s18+$0xFFFFFFF0];
	v36 =	vor.u32 v13, v36;
	v27 =	vor.u32 v46, v43;
	v44 =	vor.u32 v40, v57  }
0x4d: {  	v6 =	vadd.s32 $0x7800, v20;
	v45 =	vor.u32 v15, v41;
	[tilespmem:v20+s12+$0x0] =	vst.idx.add.f32.msk $0xffff, v21;
	v20 =	vmul.f32 v54, v3  }
0x4e: {  	v21 =	vor.u32 v29, v31;
	v31 =	vmul.f32 v16, v1;
	v16 =	vand.u32 $0x7FF80, v32;
	v58 =	vld.idx.msk [tilespmem:v23+s3+$0x0], $0xffff  }
0x4f: {  	v30 =	vmul.f32 v30, v5;
	[tilespmem:v14+s12+$0x0] =	vst.idx.add.f32.msk $0xffff, v20;
	v32 =	vor.u32 v46, v16  }
0x50: {  	v23 =	vshrl.u32 v8, $0xE;
	v14 =	vand.u32 $0x7FF80, v34;
	v16 =	vand.u32 $0x3FFF, v19;
	v59 =	vld.idx.msk [tilespmem:v26+s3+$0x0], $0xffff  }
0x51: {  	v20 =	vand.u32 $0xFF80, v35;
	v63 =	vadd.s32 $0x2800, v23;
	v26 =	vshrl.u32 v19, $0xE;
	[tilespmem:v33+s12+$0x0] =	vst.idx.add.f32.msk $0xffff, v31  }
0x52: {  	v39 =	vor.u32 v22, v20;
	v60 =	vor.u32 v25, v14;
	v31 =	vshrl.u32 v24, $0xE;
	[tilespmem:v28+s12+$0x0] =	vst.idx.add.f32.msk $0xffff, v30  }
0x53: {  	v20 =	vand.u32 $0x3FFF, v24;
	v14 =	vand.u32 $0x3FFF, v8;
	v28 =	vshrl.u32 v12, $0xE;
	v47 =	vld.idx.msk [tilespmem:v21+s3+$0x0], $0xffff  }
0x54: {  	v34 =	vand.u32 $0x7FF80, v63;
	v61 =	vadd.s32 $0x2800, v26;
	v62 =	vadd.s32 $0x2800, v31;
	v49 =	vld.idx.msk [tilespmem:v32+s3+$0x0], $0xffff  }
0x55: {  	v21 =	vand.u32 $0x3FFF, v12;
	v30 =	vadd.s32 $0x2800, v28;
	v38 =	vmul.f32 v58, v2;
	v46 =	vld.idx.msk [tilespmem:v16+s10+$0x0], $0xffff  }
0x56: {  	v37 =	vand.u32 $0x7FF80, v62;
	v41 =	vand.u32 $0x7FF80, v30;
	v30 =	vadd.s32 $0x2800, v20;
	v48 =	vld.idx.msk [tilespmem:v26+s10+$0x0], $0xffff  }
0x57: {  	v35 =	vand.u32 $0x7FF80, v61;
	v33 =	vand.u32 $0x7F80, v30;
	v40 =	vmul.f32 v59, v3;
	[tilespmem:v56+s12+$0x0] =	vst.idx.add.f32.msk $0xffff, v38  }
0x58: {  	s19 =	simm.s32 $0x4;
	v30 =	vadd.s32 $0x2800, v21;
	v32 =	vadd.s32 $0x5000, v31;
	v50 =	vmul.f32 v47, v1;
	v47 =	vld.idx.msk [tilespmem:v60+s3+$0x0], $0xffff  }
.LBB2_4:
0x59: {  	s19 =	sadd.s32 $0x4, s19;
	v43 =	vadd.s32 $0x2800, v16;
	v42 =	vadd.s32 $0x5000, v26;
	v38 =	vadd.s32 $0x5000, v28;
	[tilespmem:v39+s12+$0x0] =	vst.idx.add.f32.msk $0xffff, v40;
	s17 =	sadd.s32 $0x40, s17  }
0x5a: {  	v39 =	vadd.s32 $0x5000, v23;
	v40 =	vadd.s32 $0x5000, v20;
	p0 =	slt.u32 s19, $0x280;
	v43 =	vand.u32 $0x7F80, v43;
	[tilespmem:v45+s12+$0x0] =	vst.idx.add.f32.msk $0xffff, v50  }
0x5b: {  	v49 =	vmul.f32 v49, v5;
	v45 =	vadd.s32 $0x5000, v21;
	v50 =	vadd.s32 $0x2800, v14;
	v51 =	vld.idx.msk [tilespmem:v31+s10+$0x0], $0xffff  }
0x5c: {  	v53 =	vadd.s32 $0x7800, v31;
	v45 =	vand.u32 $0xFF80, v45;
	v50 =	vand.u32 $0x7F80, v50;
	v52 =	vld.idx.msk [tilespmem:v20+s10+$0x0], $0xffff  }
0x5d: {  	v54 =	vadd.s32 $0x5000, v16;
	v55 =	vand.u32 $0x7FF80, v18;
	v18 =	vadd.s32 $0x7800, v26;
	[tilespmem:v36+s12+$0x0] =	vst.idx.add.f32.msk $0xffff, v49  }
0x5e: {  	v29 =	vor.u32 v29, v55;
	v36 =	vmul.f32 v46, v48;
	v46 =	vmul.f32 v47, v2;
	v27 =	vld.idx.msk [tilespmem:v27+s3+$0x0], $0xffff  }
0x5f: {  	v47 =	vand.u32 $0xFF80, v54;
	v48 =	vadd.s32 $0x5000, v14;
	v49 =	vadd.s32 $0x7800, v23;
	v44 =	vld.idx.msk [tilespmem:v44+s3+$0x0], $0xffff  }
0x60: {  	v56 =	vadd.s32 $0x7800, v20;
	v57 =	vand.u32 $0xFF80, v17;
	v54 =	vadd.s32 $0x7800, v21;
	v17 =	vmovc v48;
	[tilespmem:s17+$0xFFFFFFE0] =	vst v36;
	v55 =	vld.idx.msk [tilespmem:v14+s10+$0x0], $0xffff  }
0x61: {  	v59 =	vand.u32 $0x7FF80, v10;
	v57 =	vor.u32 v9, v57;
	v48 =	vadd.s32 $0x7800, v16;
	v10 =	vmovc v49;
	v58 =	vld.idx.msk [tilespmem:v23+s10+$0x0], $0xffff  }
0x62: {  	v25 =	vor.u32 v25, v59;
	v51 =	vmul.f32 v52, v51;
	v52 =	vand.u32 $0xFF80, v4;
	v4 =	vmovc v54;
	v49 =	vld.idx.msk [tilespmem:v28+s10+$0x0], $0xffff  }
0x63: {  	v54 =	vand.u32 $0xFF80, v7;
	v7 =	vmovc v48;
	v13 =	vor.u32 v13, v52;
	v52 =	vand.u32 $0xFF80, v11;
	v11 =	vmovc v56;
	v29 =	vld.idx.msk [tilespmem:v29+s3+$0x0], $0xffff  }
0x64: {  	v56 =	vadd.s32 $0x7800, v28;
	v5 =	vmul.f32 v27, v5;
	v22 =	vor.u32 v22, v52;
	v48 =	vld.idx.msk [tilespmem:v26+s3+$0x0], $0xffff;
	[tilespmem:s17+$0x10] =	vst v51  }
0x65: {  	v52 =	vand.u32 $0x7F, v28;
	v27 =	vand.u32 $0x7FF80, v56;
	v44 =	vmul.f32 v44, v3;
	v3 =	vmovc v51;
	v59 =	vld.idx.msk [tilespmem:v21+s10+$0x0], $0xffff  }
0x66: {  	v15 =	vor.u32 v15, v54;
	v41 =	vor.u32 v52, v41;
	v27 =	vor.u32 v52, v27;
	v51 =	vld.idx.msk [tilespmem:v31+s3+$0x0], $0xffff  }
0x67: {  	v54 =	vmul.f32 v55, v58;
	v55 =	vadd.s32 $0x7800, v14;
	[tilespmem:v57+s12+$0x0] =	vst.idx.add.f32.msk $0xffff, v46  }
0x68: {  	v25 =	vld.idx.msk [tilespmem:v25+s3+$0x0], $0xffff  }
0x69: {  	v46 =	vand.u32 $0xFF80, v6;
	v6 =	vmovc v55;
	v29 =	vmul.f32 v29, v1;
	v1 =	vmov v36;
	[tilespmem:v22+s12+$0x0] =	vst.idx.add.f32.msk $0xffff, v44  }
0x6a: {  	v9 =	vor.u32 v9, v46;
	v22 =	vmul.f32 v48, v1;
	[tilespmem:v13+s12+$0x0] =	vst.idx.add.f32.msk $0xffff, v5  }
0x6b: {  	s18 =	sadd.s32 $0x40, s18;
	v5 =	vmul.f32 v59, v49;
	[tilespmem:v15+s12+$0x0] =	vst.idx.add.f32.msk $0xffff, v29  }
0x6c: {  	v31 =	vand.u32 $0x7F, v31;
	v13 =	vmul.f32 v51, v3;
	v15 =	vld [tilespmem:s18+$0xFFFFFFF0]  }
0x6d: {  	v37 =	vor.u32 v31, v37;
	v36 =	vld [tilespmem:s18+$0x0];
	[tilespmem:s17+$0xFFFFFFF0] =	vst v5  }
0x6e: {  	v29 =	vand.u32 $0x7F, v26;
	v25 =	vmul.f32 v25, v2;
	v2 =	vmov v54;
	v26 =	vld.idx.msk [tilespmem:v28+s3+$0x0], $0xffff;
	[tilespmem:s17+$0x0] =	vst v54  }
0x6f: {  	v28 =	vor.u32 v29, v35;
	v35 =	vld.idx.msk [tilespmem:v23+s3+$0x0], $0xffff  }
0x70: {  	[tilespmem:v9+s12+$0x0] =	vst.idx.add.f32.msk $0xffff, v25  }
0x71: {  	[tilespmem:v20+s12+$0x0] =	vst.idx.add.f32.msk $0xffff, v13  }
0x72: {  	v20 =	vld.idx.msk [tilespmem:v37+s3+$0x0], $0xffff  }
0x73: {  	v9 =	vand.u32 $0x7F, v8;
	v13 =	vand.u32 $0x7F, v12;
	v12 =	vmovc v15;
	v8 =	vmov v36;
	[tilespmem:v16+s12+$0x0] =	vst.idx.add.f32.msk $0xffff, v22  }
0x74: {  	v50 =	vor.u32 v9, v50;
	v15 =	vmul.f32 v26, v5;
	v22 =	vand.u32 $0x7F, v24;
	v16 =	vld.idx.msk [tilespmem:v28+s3+$0x0], $0xffff  }
0x75: {  	v25 =	vand.u32 $0x7F, v23;
	v36 =	vor.u32 v13, v45;
	v23 =	vor.u32 v22, v33;
	v26 =	vld [tilespmem:s18+$0xFFFFFFE0]  }
0x76: {  	v24 =	vand.u32 $0x7FF80, v32;
	v28 =	vor.u32 v25, v34;
	[tilespmem:v21+s12+$0x0] =	vst.idx.add.f32.msk $0xffff, v15;
	v21 =	vmul.f32 v35, v2  }
0x77: {  	v33 =	vor.u32 v31, v24;
	v34 =	vand.u32 $0x7FF80, v53;
	v15 =	vand.u32 $0x7F, v19;
	v32 =	vld.idx.msk [tilespmem:v41+s3+$0x0], $0xffff  }
0x78: {  	v19 =	vand.u32 $0x7FF80, v42;
	v35 =	vor.u32 v15, v43;
	[tilespmem:v14+s12+$0x0] =	vst.idx.add.f32.msk $0xffff, v21;
	v14 =	vmul.f32 v20, v3  }
0x79: {  	v37 =	vand.u32 $0x7F80, v30;
	v45 =	vor.u32 v15, v47;
	v21 =	vor.u32 v29, v19;
	v24 =	vld [tilespmem:s18+$0x10]  }
0x7a: {  	v30 =	vor.u32 v13, v37;
	v20 =	vmul.f32 v16, v1;
	v16 =	vand.u32 $0x7FF80, v38;
	[tilespmem:v23+s12+$0x0] =	vst.idx.add.f32.msk $0xffff, v14  }
0x7b: {  	v38 =	vor.u32 v52, v16;
	v14 =	vand.u32 $0x7FF80, v39;
	v23 =	vand.u32 $0xFF80, v40;
	v19 =	vmovc v26;
	v41 =	vld.idx.msk [tilespmem:v28+s3+$0x0], $0xffff  }
0x7c: {  	v44 =	vor.u32 v31, v34;
	v16 =	vand.u32 $0x3FFF, v19;
	v39 =	vor.u32 v22, v23;
	v33 =	vld.idx.msk [tilespmem:v33+s3+$0x0], $0xffff  }
0x7d: {  	v26 =	vshrl.u32 v19, $0xE;
	v42 =	vor.u32 v25, v14;
	v28 =	vmul.f32 v32, v5;
	[tilespmem:v35+s12+$0x0] =	vst.idx.add.f32.msk $0xffff, v20  }
0x7e: {  	v32 =	vadd.s32 $0x2800, v26;
	v31 =	vshrl.u32 v24, $0xE;
	v20 =	vand.u32 $0x3FFF, v24;
	v43 =	vld.idx.msk [tilespmem:v21+s3+$0x0], $0xffff  }
0x7f: {  	v23 =	vshrl.u32 v8, $0xE;
	v14 =	vand.u32 $0x3FFF, v8;
	v34 =	vadd.s32 $0x2800, v31;
	[tilespmem:v30+s12+$0x0] =	vst.idx.add.f32.msk $0xffff, v28  }
.Ltmp1:
0x80: {  	v21 =	vand.u32 $0x3FFF, v12;
	v28 =	vshrl.u32 v12, $0xE;
	v37 =	vand.u32 $0x7FF80, v34;
	v49 =	vld.idx.msk [tilespmem:v38+s3+$0x0], $0xffff;
	(pc) =	sbr.rel @p0 .LBB2_4-.Ltmp1, $4  }
0x81: {  	v35 =	vand.u32 $0x7FF80, v32;
	v30 =	vadd.s32 $0x2800, v28;
	v34 =	vmul.f32 v41, v2;
	v46 =	vld.idx.msk [tilespmem:v16+s10+$0x0], $0xffff  }
0x82: {  	v41 =	vand.u32 $0x7FF80, v30;
	v30 =	vadd.s32 $0x2800, v20;
	v40 =	vmul.f32 v33, v3;
	v48 =	vld.idx.msk [tilespmem:v26+s10+$0x0], $0xffff  }
0x83: {  	v32 =	vadd.s32 $0x5000, v31;
	v38 =	vadd.s32 $0x2800, v23;
	v33 =	vand.u32 $0x7F80, v30;
	[tilespmem:v50+s12+$0x0] =	vst.idx.add.f32.msk $0xffff, v34  }
0x84: {  	v30 =	vadd.s32 $0x2800, v21;
	v34 =	vand.u32 $0x7FF80, v38;
	v50 =	vmul.f32 v43, v1;
	v47 =	vld.idx.msk [tilespmem:v42+s3+$0x0], $0xffff  }
0x85: {  	_ =	sdelay $0x3  }
0x86: {  	[tilespmem:v39+s12+$0x0] =	vst.idx.add.f32.msk $0xffff, v40  }
0x87: {  	v38 =	vld.idx.msk [tilespmem:v31+s10+$0x0], $0xffff  }
0x88: {  	v55 =	vld.idx.msk [tilespmem:v20+s10+$0x0], $0xffff  }
0x89: {  	v56 =	vld.idx.msk [tilespmem:v14+s10+$0x0], $0xffff  }
0x8a: {  	v42 =	vld.idx.msk [tilespmem:v28+s10+$0x0], $0xffff  }
0x8b: {  	v57 =	vld.idx.msk [tilespmem:v21+s10+$0x0], $0xffff  }
0x8c: {  	v58 =	vld.idx.msk [tilespmem:v23+s10+$0x0], $0xffff  }
0x8d: {  	v54 =	vmul.f32 v49, v5;
	v18 =	vand.u32 $0x7FF80, v18;
	[tilespmem:v45+s12+$0x0] =	vst.idx.add.f32.msk $0xffff, v50  }
0x8e: {  	v29 =	vor.u32 v29, v18;
	v44 =	vld.idx.msk [tilespmem:v44+s3+$0x0], $0xffff;
	v18 =	vmul.f32 v46, v48  }
0x8f: {  	s17 =	sadd.s32 $0x40, s17;
	[tilespmem:v36+s12+$0x0] =	vst.idx.add.f32.msk $0xffff, v54  }
0x90: {  	v45 =	vld.idx.msk [tilespmem:v27+s3+$0x0], $0xffff;
	[tilespmem:s17+$0xFFFFFFE0] =	vst v18;
	v36 =	vmul.f32 v55, v38  }
0x91: {  	v11 =	vand.u32 $0xFF80, v11;
	v27 =	vmul.f32 v57, v42;
	v60 =	vld.idx.msk [tilespmem:v26+s3+$0x0], $0xffff  }
0x92: {  	v11 =	vor.u32 v22, v11;
	[tilespmem:s17+$0x10] =	vst v36  }
0x93: {  	v59 =	vand.u32 $0xFF80, v17;
	v49 =	vand.u32 $0x7F, v26;
	v17 =	vmul.f32 v56, v58;
	[tilespmem:s17+$0xFFFFFFF0] =	vst v27;
	v43 =	vld.idx.msk [tilespmem:v31+s3+$0x0], $0xffff  }
0x94: {  	v61 =	vadd.s32 $0x2800, v16;
	v62 =	vadd.s32 $0x5000, v26;
	v35 =	vor.u32 v49, v35;
	v57 =	vld.idx.msk [tilespmem:v28+s3+$0x0], $0xffff  }
0x95: {  	v63 =	vadd.s32 $0x5000, v28;
	v51 =	vadd.s32 $0x5000, v23;
	v29 =	vld.idx.msk [tilespmem:v29+s3+$0x0], $0xffff;
	v3 =	vmul.f32 v44, v3;
	[tilespmem:s17+$0x0] =	vst v17  }
0x96: {  	v53 =	vadd.s32 $0x5000, v20;
	v38 =	vand.u32 $0x7F, v31;
	v52 =	vld.idx.msk [tilespmem:v23+s3+$0x0], $0xffff;
	v46 =	vmul.f32 v60, v18  }
0x97: {  	v24 =	vand.u32 $0x7F, v24;
	v54 =	vand.u32 $0x7F, v28;
	v37 =	vor.u32 v38, v37;
	[tilespmem:v11+s12+$0x0] =	vst.idx.add.f32.msk $0xffff, v3  }
0x98: {  	v32 =	vand.u32 $0x7FF80, v32;
	v41 =	vor.u32 v54, v41;
	[tilespmem:v16+s12+$0x0] =	vst.idx.add.f32.msk $0xffff, v46;
	v43 =	vmul.f32 v43, v36  }
0x99: {  	v19 =	vand.u32 $0x7F, v19;
	v42 =	vor.u32 v9, v59;
	v59 =	vmul.f32 v57, v27;
	v35 =	vld.idx.msk [tilespmem:v35+s3+$0x0], $0xffff  }
0x9a: {  	v12 =	vand.u32 $0x7F, v12;
	v30 =	vand.u32 $0x7F80, v30;
	v46 =	vand.u32 $0x7F, v23;
	[tilespmem:v20+s12+$0x0] =	vst.idx.add.f32.msk $0xffff, v43  }
0x9b: {  	v10 =	vand.u32 $0x7FF80, v10;
	v39 =	vand.u32 $0x7F80, v61;
	v34 =	vor.u32 v46, v34;
	[tilespmem:v21+s12+$0x0] =	vst.idx.add.f32.msk $0xffff, v59  }
0x9c: {  	v40 =	vand.u32 $0x7FF80, v62;
	v39 =	vor.u32 v19, v39;
	v47 =	vmul.f32 v47, v2;
	v37 =	vld.idx.msk [tilespmem:v37+s3+$0x0], $0xffff  }
0x9d: {  	v8 =	vand.u32 $0x7F, v8;
	v40 =	vor.u32 v49, v40;
	v61 =	vmul.f32 v52, v17;
	v41 =	vld.idx.msk [tilespmem:v41+s3+$0x0], $0xffff  }
0x9e: {  	v4 =	vand.u32 $0xFF80, v4;
	v7 =	vand.u32 $0xFF80, v7;
	v33 =	vor.u32 v24, v33;
	[tilespmem:v42+s12+$0x0] =	vst.idx.add.f32.msk $0xffff, v47  }
0x9f: {  	v30 =	vor.u32 v12, v30;
	v62 =	vand.u32 $0x7FF80, v63;
	[tilespmem:v14+s12+$0x0] =	vst.idx.add.f32.msk $0xffff, v61;
	v63 =	vmul.f32 v35, v18  }
0xa0: {  	v50 =	vadd.s32 $0x5000, v16;
	v10 =	vor.u32 v25, v10;
	v48 =	vor.u32 v54, v62;
	v34 =	vld.idx.msk [tilespmem:v34+s3+$0x0], $0xffff  }
0xa1: {  	v55 =	vadd.s32 $0x2800, v14;
	v32 =	vor.u32 v38, v32;
	[tilespmem:v39+s12+$0x0] =	vst.idx.add.f32.msk $0xffff, v63;
	v37 =	vmul.f32 v37, v36  }
0xa2: {  	v58 =	vadd.s32 $0x5000, v21;
	v60 =	vand.u32 $0x7F80, v55;
	v55 =	vmul.f32 v41, v27;
	v39 =	vld.idx.msk [tilespmem:v40+s3+$0x0], $0xffff  }
0xa3: {  	v57 =	vor.u32 v8, v60;
	v43 =	vand.u32 $0xFF80, v58;
	v58 =	vand.u32 $0x7FF80, v51;
	[tilespmem:v33+s12+$0x0] =	vst.idx.add.f32.msk $0xffff, v37  }
0xa4: {  	v56 =	vadd.s32 $0x7800, v26;
	v37 =	vand.u32 $0xFF80, v50;
	v33 =	vor.u32 v46, v58;
	[tilespmem:v30+s12+$0x0] =	vst.idx.add.f32.msk $0xffff, v55  }
0xa5: {  	v62 =	vadd.s32 $0x7800, v28;
	v26 =	vand.u32 $0x7FF80, v56;
	v35 =	vld.idx.msk [tilespmem:v48+s3+$0x0], $0xffff;
	v37 =	vor.u32 v19, v37  }
0xa6: {  	v26 =	vor.u32 v49, v26;
	v31 =	vadd.s32 $0x7800, v31;
	v34 =	vmul.f32 v34, v17;
	v52 =	vld.idx.msk [tilespmem:v32+s3+$0x0], $0xffff  }
0xa7: {  	v28 =	vand.u32 $0x7FF80, v62;
	v10 =	vld.idx.msk [tilespmem:v10+s3+$0x0], $0xffff;
	v59 =	vand.u32 $0xFF80, v53;
	v3 =	vor.u32 v12, v43  }
0xa8: {  	v60 =	vadd.s32 $0x5000, v14;
	v61 =	vor.u32 v24, v59;
	[tilespmem:v57+s12+$0x0] =	vst.idx.add.f32.msk $0xffff, v34;
	v42 =	vmul.f32 v39, v18  }
0xa9: {  	v22 =	vand.u32 $0xFF80, v60;
	v40 =	vor.u32 v54, v28;
	v41 =	vand.u32 $0x7FF80, v31;
	v32 =	vld.idx.msk [tilespmem:v33+s3+$0x0], $0xffff  }
0xaa: {  	v63 =	vadd.s32 $0x7800, v23;
	v28 =	vor.u32 v38, v41;
	v43 =	vmul.f32 v35, v27;
	[tilespmem:v37+s12+$0x0] =	vst.idx.add.f32.msk $0xffff, v42  }
0xab: {  	v22 =	vor.u32 v8, v22;
	v23 =	vand.u32 $0x7FF80, v63;
	v25 =	vmul.f32 v52, v36;
	v52 =	vld.idx.msk [tilespmem:v26+s3+$0x0], $0xffff  }
0xac: {  	v6 =	vand.u32 $0xFF80, v6;
	v4 =	vor.u32 v13, v4;
	[tilespmem:v3+s12+$0x0] =	vst.idx.add.f32.msk $0xffff, v43;
	v3 =	vor.u32 v46, v23  }
0xad: {  	v7 =	vor.u32 v15, v7;
	v6 =	vor.u32 v9, v6;
	[tilespmem:v61+s12+$0x0] =	vst.idx.add.f32.msk $0xffff, v25  }
0xae: {  	v44 =	vadd.s32 $0x7800, v21;
	v48 =	vadd.s32 $0x7800, v16;
	v11 =	vld.idx.msk [tilespmem:v40+s3+$0x0], $0xffff;
	v49 =	vmul.f32 v32, v17  }
0xaf: {  	v47 =	vadd.s32 $0x7800, v20;
	v1 =	vmul.f32 v29, v1;
	v54 =	vand.u32 $0xFF80, v48;
	v50 =	vld.idx.msk [tilespmem:v28+s3+$0x0], $0xffff  }
0xb0: {  	v51 =	vmul.f32 v45, v5;
	v20 =	vand.u32 $0xFF80, v47;
	v55 =	vor.u32 v19, v54;
	[tilespmem:v22+s12+$0x0] =	vst.idx.add.f32.msk $0xffff, v49  }
0xb1: {  	v53 =	vadd.s32 $0x7800, v14;
	v21 =	vand.u32 $0xFF80, v44;
	v20 =	vor.u32 v24, v20;
	v3 =	vld.idx.msk [tilespmem:v3+s3+$0x0], $0xffff  }
0xb2: {  	[tilespmem:v7+s12+$0x0] =	vst.idx.add.f32.msk $0xffff, v1;
	v12 =	vor.u32 v12, v21;
	v2 =	vmul.f32 v10, v2;
	v56 =	vand.u32 $0xFF80, v53  }
0xb3: {  	[tilespmem:v4+s12+$0x0] =	vst.idx.add.f32.msk $0xffff, v51;
	v5 =	vor.u32 v8, v56;
	v57 =	vmul.f32 v52, v18  }
0xb4: {  	[tilespmem:v6+s12+$0x0] =	vst.idx.add.f32.msk $0xffff, v2;
	v1 =	vmul.f32 v50, v36  }
0xb5: {  	v2 =	vmul.f32 v11, v27;
	[tilespmem:v55+s12+$0x0] =	vst.idx.add.f32.msk $0xffff, v57  }
0xb6: {  	[tilespmem:v20+s12+$0x0] =	vst.idx.add.f32.msk $0xffff, v1;
	v1 =	vmul.f32 v3, v17  }
0xb7: {  	[tilespmem:v12+s12+$0x0] =	vst.idx.add.f32.msk $0xffff, v2  }
0xb8: {  	[tilespmem:v5+s12+$0x0] =	vst.idx.add.f32.msk $0xffff, v1  }
0xb9: {  	v1 =	vld [tilespmem:$0xC840];
	_ =	sdelay $0x4  }
0xba: {  	v2 =	vshrl.u32 v1, $0xE  }
0xbb: {  	v3 =	vand.u32 $0x3FFF, v1;
	_ =	sdelay $0x3  }
0xbc: {  	v4 =	vld.idx.msk [tilespmem:v2+s10+$0x0], $0xffff  }
0xbd: {  	v5 =	vld.idx.msk [tilespmem:v3+s10+$0x0], $0xffff;
	_ =	sdelay $0x4  }
0xbe: {  	v4 =	vmul.f32 v5, v4;
	_ =	sdelay $0x1  }
0xbf: {  	[tilespmem:$0xF0C0] =	vst v4  }
0xc0: {  	v58 =	vld.idx.msk [tilespmem:v2+s3+$0x0], $0xffff  }
0xc1: {  	v59 =	vadd.s32 $0x2800, v2  }
0xc2: {  	v60 =	vand.u32 $0x7F, v2;
	v6 =	vand.u32 $0x7FF80, v59  }
0xc3: {  	v6 =	vor.u32 v60, v6;
	_ =	sdelay $0x1  }
0xc4: {  	v5 =	vmul.f32 v58, v4;
	_ =	sdelay $0x1  }
0xc5: {  	[tilespmem:v3+s12+$0x0] =	vst.idx.add.f32.msk $0xffff, v5  }
0xc6: {  	v61 =	vadd.s32 $0x2800, v3;
	v5 =	vld.idx.msk [tilespmem:v6+s3+$0x0], $0xffff  }
0xc7: {  	v1 =	vand.u32 $0x7F, v1;
	v62 =	vadd.s32 $0x5000, v2;
	v6 =	vand.u32 $0x7F80, v61  }
0xc8: {  	v8 =	vand.u32 $0x7FF80, v62;
	v6 =	vor.u32 v1, v6  }
0xc9: {  	v8 =	vor.u32 v60, v8;
	_ =	sdelay $0x1  }
0xca: {  	v5 =	vmul.f32 v5, v4;
	_ =	sdelay $0x1  }
0xcb: {  	[tilespmem:v6+s12+$0x0] =	vst.idx.add.f32.msk $0xffff, v5  }
0xcc: {  	v63 =	vadd.s32 $0x5000, v3;
	v5 =	vld.idx.msk [tilespmem:v8+s3+$0x0], $0xffff  }
0xcd: {  	v2 =	vadd.s32 $0x7800, v2;
	v6 =	vand.u32 $0xFF80, v63  }
0xce: {  	v2 =	vand.u32 $0x7FF80, v2;
	v6 =	vor.u32 v1, v6  }
0xcf: {  	v2 =	vor.u32 v60, v2;
	_ =	sdelay $0x1  }
0xd0: {  	v5 =	vmul.f32 v5, v4;
	_ =	sdelay $0x1  }
0xd1: {  	[tilespmem:v6+s12+$0x0] =	vst.idx.add.f32.msk $0xffff, v5  }
0xd2: {  	v3 =	vadd.s32 $0x7800, v3;
	v2 =	vld.idx.msk [tilespmem:v2+s3+$0x0], $0xffff  }
0xd3: {  	v3 =	vand.u32 $0xFF80, v3  }
0xd4: {  	v1 =	vor.u32 v1, v3;
	_ =	sdelay $0x2  }
0xd5: {  	v2 =	vmul.f32 v2, v4;
	_ =	sdelay $0x1  }
0xd6: {  	[tilespmem:v1+s12+$0x0] =	vst.idx.add.f32.msk $0xffff, v2  }
0xd7: {  	[hbm4b:s6+s3] =	stream.linear.scatter [tilespmem:s13], [sflag:$0x1], $0x2850, $0x38;
	[tilespmem:$0x1B900] =	vst v63  }
0xd8: {  	s16 =	sadd.s32 $0x1, s16  }
0xd9: {  	[hbm4b:s7+s14] =	stream.strided.scatter [tilespmem:s12], [sflag:$0x1], $0xA000, s15, s14, $0x38;
	[tilespmem:$0x1B900] =	vst v63  }
0xda: {  	p0 =	sne.s32 s16, s8;
	_ =	swait.ge [sflag:s11], $0xA000  }
.Ltmp2:
0xdb: {  	[sflag:s11] =	ssyncset.done $0x0;
	(pc) =	sbr.rel @p0 .LBB2_1-.Ltmp2, $4  }
0xdc: {  	[sflag:s11] =	ssyncadd.s32 $0xFFFF6000  }
0xdd: {  	_ =	swait.ge [sflag:s11], $0x2850  }
0xde: {  	[sflag:s11] =	ssyncset.done $0x0  }
0xdf: {  	[sflag:s11] =	ssyncadd.s32 $0xFFFFD7B0  }
0xe0: {  	_ =	sfence.sel $0x180000  }
0xe1: {  	[bflag:$0x0] =	sbarrier.arrive $0xFFFF  }
0xe2: {  	p0 =	sne.s32 s0, $0x0;
	_ =	strace $0x9000004A  }
0xe3: {  	s0 =	sadd.s32 @!p0 $0x100000, s1;
	[bflag:$0x2] =	sbarrier.arrive $0xFFFF  }
0xe4: {  	[sflag:s0] =	ssyncadd.tile.s32 @!p0 $0x1;
	_ =	shalt  }
.Lfunc_end2:
_tile_overlayer_lowered:
.L_overlay_start_2:
0xe5: {  	(tag) =	ssettag $0x2  }
0xe6: {  	s0 =	rddreg [dreg:$0x0];
	s2 =	stileid.u32  }
0xe7: {  	s1 =	rddreg [dreg:$0x1];
	p0 =	sne.s32 s2, $0x0  }
0xe8: {  	s3 =	rddreg [dreg:$0x2];
	[bflag:$0x3] =	sbarrier.arrive $0xFFFF;
	s2 =	simm.s32 @!p0 $0x1C02  }
0xe9: {  	[timem:s3], [sflag:s2] =	dma.local @!p0 [hbm:s0], s1  }
0xea: {  	s0 =	simm.s32 @!p0 $0x2  }
0xeb: {  	_ =	swait.ge @!p0 [sflag:s0], s1  }
0xec: {  	s1 =	ssub.s32 @!p0 $0x0, s1;
	[sflag:s0] =	ssyncset.done @!p0 $0x0  }
0xed: {  	[sflag:s0] =	ssyncadd.s32 @!p0 s1  }
0xee: {  	[bflag:$0x3] =	sbarrier.arrive $0xFFFF  }
0xef: {  	_ =	shalt  }

// kernel: kernel.16.cloned.1.call-start
scs
__scs_entry_jumppad:
0x0: {  	(pc) =	sbr.rel $0x88, $3  }
0x1: {  	(tag) =	ssettag $0x0;
	lr =	simm.s32 $0x1  }
0x2: {  	[smem:$0x3F97] =	sst lr;
	_ =	strace $0xD0000000  }
0x3: {  	_ = 	snop  }
0x4: {  	_ = 	snop  }
0x5: {  	_ = 	snop  }
0x6: {  	_ = 	snop  }
0x7: {  	_ = 	snop  }
__scs_overlays_trampoline_lowered:
0x8: {  	[smem:$0x3FA6] =	sst s0  }
0x9: {  	[smem:$0x3FA7] =	sst s1  }
0xa: {  	[smem:$0x3FA8] =	sst s2  }
0xb: {  	[smem:$0x3FA9] =	sst s3  }
0xc: {  	[smem:$0x3FAA] =	sst s4  }
0xd: {  	[smem:$0x3FAB] =	sst s5  }
0xe: {  	[smem:$0x3FAC] =	sst s6  }
0xf: {  	[smem:$0x3FAD] =	sst s7  }
0x10: {  	[smem:$0x3FAE] =	sst s8  }
0x11: {  	[smem:$0x3FAF] =	sst s9;
	s0 =	simm.s32 @!p0 $0x0  }
0x12: {  	s1 =	sld [smem:$0x3F95];
	s0 =	simm.s32 @p0 $0x1  }
0x13: {  	[smem:$0x3FB0] =	sst s0;
	s0 =	simm.s32 @!p1 $0x0  }
0x14: {  	s2 =	sld [smem:$0x3F94];
	s0 =	simm.s32 @p1 $0x1  }
0x15: {  	[smem:$0x3FB1] =	sst s0;
	s0 =	simm.s32 @!p2 $0x0  }
0x16: {  	s3 =	sld [smem:$0x3FDB];
	s0 =	simm.s32 @p2 $0x1  }
0x17: {  	s4 =	simm.s32 $0x1BF5;
	[smem:$0x3FB3] =	sst s0  }
0x18: {  	s0 =	sld [smem:$0x3F96];
	_ =	swait.ge [sflag:s4], $0x0  }
0x19: {  	s7 =	sld [smem:$0x3F97]  }
0x1a: {  	s8 =	sadd.s32 $0xFFFFE003, lr  }
0x1b: {  	s9 =	sadd.s32 $0xFFFFFEF7, lr;
	s5 =	simm.s32 $0xFFFFFFFF;
	p2 =	slt.u32 s8, $0xFFFFF086  }
0x1c: {  	p1 =	slt.u32 s9, $0xF7A;
	s5 =	simm.s32 @!p2 $0x0  }
0x1d: {  	s5 =	simm.s32 @p1 $0x1;
	p0 =	seq.s32 s7, s2  }
0x1e: {  	s7 =	smul.u32 @!p0 $0xF7A, s2;
	p2 =	seq.s32 @!p0 s5, $0x0  }
0x1f: {  	s9 =	smul.u32 $0xF7A, s1;
	s8 =	simm.s32 @!p0 $0x1BF5;
	p2 =	por !p2, p0  }
0x20: {  	[sflag:s8] =	ssyncset.s32 @!p0 $0xFFFFF086;
	s6 =	sadd.s32 @!p0 s3, s7;
	s7 =	simm.s32 @!p0 $0x108  }
0x21: {  	s3 =	sadd.s32 s3, s9;
	s6 =	sadd.s32 @!p0 $0x88, s6;
	s7 =	simm.s32 @p2 $0x1082  }
0x22: {  	[simem:s7], [sflag:s8] =	dma.local @!p0 [hbm:s6], $0xF7A  }
0x23: {  	s9 =	sor.u32 $0xD0000000, s2;
	s6 =	simm.s32 $0x108;
	_ =	swait.ge @!p0 [sflag:s8], $0x0  }
0x24: {  	s3 =	sadd.s32 $0x88, s3;
	s6 =	simm.s32 @!p1 $0x1082;
	[sflag:s4] =	ssyncset.s32 $0xFFFFF086  }
0x25: {  	[simem:s6], [sflag:s4] =	dma.local [hbm:s3], $0xF7A  }
0x26: {  	[smem:$0x3F97] =	sst s1;
	(tag) =	ssettag s2;
	_ =	strace s9  }
0x27: {  	s1 =	sld [smem:$0x3FA7]  }
0x28: {  	s2 =	sld [smem:$0x3FA8]  }
0x29: {  	s4 =	sld [smem:$0x3FAA]  }
0x2a: {  	p0 =	seq.s32 s5, $0x0;
	s5 =	sld [smem:$0x3FAB]  }
0x2b: {  	s6 =	sld [smem:$0x3FAC]  }
0x2c: {  	s7 =	sld [smem:$0x3FAD]  }
0x2d: {  	s3 =	simm.s32 $0x108;
	s8 =	sld [smem:$0x3FAE]  }
0x2e: {  	s3 =	simm.s32 @!p0 $0x1082;
	s9 =	sld [smem:$0x3FAF]  }
0x2f: {  	lr =	sadd.s32 s0, s3;
	s0 =	sld [smem:$0x3FA6]  }
0x30: {  	s3 =	sld [smem:$0x3FA9]  }
0x31: {  	[smem:$0x3FB2] =	sst s10  }
0x32: {  	s10 =	sld [smem:$0x3FB0];
	_ =	sdelay $0x3  }
0x33: {  	p0 =	seq.s32 s10, $0x1;
	s10 =	sld [smem:$0x3FB2];
	_ =	sdelay $0x3  }
0x34: {  	[smem:$0x3FB2] =	sst s10  }
0x35: {  	s10 =	sld [smem:$0x3FB1];
	_ =	sdelay $0x3  }
0x36: {  	p1 =	seq.s32 s10, $0x1;
	s10 =	sld [smem:$0x3FB2];
	_ =	sdelay $0x3  }
0x37: {  	[smem:$0x3FB2] =	sst s10  }
0x38: {  	s10 =	sld [smem:$0x3FB3]  }
0x39: {  	_ = 	snop;
	(pc) =	sbr.ind lr, $3  }
0x3a: {  	_ = 	snop  }
0x3b: {  	_ = 	snop  }
0x3c: {  	p2 =	seq.s32 s10, $0x1;
	s10 =	sld [smem:$0x3FB2]  }
0x3d: {  	_ =	shalt  }
0x3e: {  	_ =	shalt  }
0x3f: {  	_ =	shalt  }
0x40: {  	_ =	shalt  }
0x41: {  	_ =	shalt  }
0x42: {  	_ =	shalt  }
0x43: {  	_ =	shalt  }
0x44: {  	_ =	shalt  }
0x45: {  	_ =	shalt  }
0x46: {  	_ =	shalt  }
0x47: {  	_ =	shalt  }
0x48: {  	_ =	shalt  }
0x49: {  	_ =	shalt  }
0x4a: {  	_ =	shalt  }
0x4b: {  	_ =	shalt  }
0x4c: {  	_ =	shalt  }
0x4d: {  	_ =	shalt  }
0x4e: {  	_ =	shalt  }
0x4f: {  	_ =	shalt  }
0x50: {  	_ =	shalt  }
0x51: {  	_ =	shalt  }
0x52: {  	_ =	shalt  }
0x53: {  	_ =	shalt  }
0x54: {  	_ =	shalt  }
0x55: {  	_ =	shalt  }
0x56: {  	_ =	shalt  }
0x57: {  	_ =	shalt  }
0x58: {  	_ =	shalt  }
0x59: {  	_ =	shalt  }
0x5a: {  	_ =	shalt  }
0x5b: {  	_ =	shalt  }
0x5c: {  	_ =	shalt  }
0x5d: {  	_ =	shalt  }
0x5e: {  	_ =	shalt  }
0x5f: {  	_ =	shalt  }
0x60: {  	_ =	shalt  }
0x61: {  	_ =	shalt  }
0x62: {  	_ =	shalt  }
0x63: {  	_ =	shalt  }
0x64: {  	_ =	shalt  }
0x65: {  	_ =	shalt  }
0x66: {  	_ =	shalt  }
0x67: {  	_ =	shalt  }
0x68: {  	_ =	shalt  }
0x69: {  	_ =	shalt  }
0x6a: {  	_ =	shalt  }
0x6b: {  	_ =	shalt  }
0x6c: {  	_ =	shalt  }
0x6d: {  	_ =	shalt  }
0x6e: {  	_ =	shalt  }
0x6f: {  	_ =	shalt  }
0x70: {  	_ =	shalt  }
0x71: {  	_ =	shalt  }
0x72: {  	_ =	shalt  }
0x73: {  	_ =	shalt  }
0x74: {  	_ =	shalt  }
0x75: {  	_ =	shalt  }
0x76: {  	_ =	shalt  }
0x77: {  	_ =	shalt  }
0x78: {  	_ =	shalt  }
0x79: {  	_ =	shalt  }
0x7a: {  	_ =	shalt  }
0x7b: {  	_ =	shalt  }
0x7c: {  	_ =	shalt  }
0x7d: {  	_ =	shalt  }
0x7e: {  	_ =	shalt  }
0x7f: {  	_ =	shalt  }
0x80: {  	_ =	shalt  }
0x81: {  	_ =	shalt  }
0x82: {  	_ =	shalt  }
0x83: {  	_ =	shalt  }
0x84: {  	_ =	shalt  }
0x85: {  	_ =	shalt  }
0x86: {  	_ =	shalt  }
0x87: {  	_ =	shalt  }
.Lfunc_end0:
.L_simem_size_0:
called_computation.2_lowered:
.L_overlay_start_0:
0x88: {  	s2 =	sld [smem:$0x3FD9]  }
0x89: {  	s3 =	sld [smem:$0x3FFE];
	_ =	sdelay $0x1  }
0x8a: {  	s1 =	srdreg.scid  }
0x8b: {  	s0 =	sand.u32 $0x1, s1  }
0x8c: {  	s16 =	sshll.u32 s0, $0xA;
	s2 =	sadd.s32 s3, s2  }
0x8d: {  	s2 =	sadd.s32 s2, s16  }
0x8e: {  	[smem:$0x3FBE] =	sst s2  }
0x8f: {  	_ = 	snop  }
0x90: {  	(tm) =	ssettm $0x1  }
0x91: {  	s17 =	sld [smem:$0x3FFB];
	_ =	sdelay $0x3  }
0x92: {  	_ =	strace s17  }
0x93: {  	s2 =	sld [smem:$0x3FFC];
	_ =	sdelay $0x3  }
0x94: {  	_ =	strace s2  }
0x95: {  	s2 =	sld [smem:$0x3FFD];
	_ =	sdelay $0x3  }
0x96: {  	_ =	strace s2  }
0x97: {  	_ =	strace $0x8FFFFFFF  }
0x98: {  	s18 =	sld [smem:$0x3FDB];
	_ =	sdelay $0x1  }
0x99: {  	s19 =	simm.s32 $_scs_section_size  }
0x9a: {  	s4 =	simm.s32 $_size__tile_overlayer_lowered;
	s5 =	simm.s32 $_tile_overlayer_lowered  }
0x9b: {  	s22 =	simm.s32 $0x1BFF;
	s21 =	sshll.u32 s5, $0x1;
	s2 =	sadd.s32 s19, s18  }
0x9c: {  	s6 =	simm.s32 $0x0;
	s20 =	sshll.u32 s4, $0x1;
	s4 =	sadd.s32 s21, s2  }
0x9d: {  	[timem:s6], [sflag:s22] =	dma.local [hbm:s4], s20  }
0x9e: {  	_ =	swait.ge [sflag:s22], s20  }
0x9f: {  	s3 =	ssub.s32 $0x0, s20;
	[sflag:s22] =	ssyncset.done $0x0  }
0xa0: {  	[sflag:s22] =	ssyncadd.s32 s3;
	_ =	sdelay $0x1  }
0xa1: {  	s23 =	simm.s32 $0x1B8B  }
0xa2: {  	_ =	swait.ge [sflag:s23], $0x1  }
0xa3: {  	[sflag:s23] =	ssyncset.done $0x0  }
0xa4: {  	s25 =	simm.s32 $0x1B8E;
	s24 =	sld [smem:$0x3FFE];
	[sflag:s23] =	ssyncadd.s32 $0xFFFFFFFF  }
0xa5: {  	s26 =	simm.s32 $execute0_lowered;
	[smem:$0x3FD2] =	sst s25  }
0xa6: {  	s4 =	sshll.u32 s26, $0x1;
	_ =	strace $0x8000004C;
	[dreg:$0x1] =	wrdreg $0xFFFFFFFF  }
0xa7: {  	s28 =	simm.s32 $_size_execute0_lowered;
	s2 =	sadd.s32 s2, s4;
	[dreg:$0x0] =	wrdreg $0x0  }
0xa8: {  	s4 =	sshll.u32 s28, $0x1;
	[dreg:$0x2] =	wrdreg s2  }
0xa9: {  	[dreg:$0x3] =	wrdreg s4  }
0xaa: {  	[dreg:$0x4] =	wrdreg $0xC0  }
0xab: {  	_ =	task [dreg:s6], $0x5FFFF  }
0xac: {  	[dreg:$0x1] =	wrdreg $0xFFFFFFFF  }
0xad: {  	[dreg:$0x0] =	wrdreg $0x60  }
0xae: {  	[dreg:$0x2] =	wrdreg s24  }
0xaf: {  	[dreg:$0x3] =	wrdreg $0x9  }
0xb0: {  	_ =	task.clear_ibuf [dreg:s6], $0x4FFFF;
	_ =	strace $0x9000004C  }
0xb1: {  	s29 =	simm.s32 $0x9;
	_ =	strace $0x8000004E  }
0xb2: {  	_ =	swait.ge [sflag:s29], $0x1  }
0xb3: {  	[sflag:s29] =	ssyncadd.s32 $0xFFFFFFFF  }
0xb4: {  	_ =	strace $0x9000004E  }
0xb5: {  	_ =	sfence  }
0xb6: {  	s30 =	sld [smem:$0x0];
	_ =	sdelay $0x2  }
0xb7: {  	s31 =	sshll.u32 s1, $0xD;
	s1 =	sshrl.u32 s1, $0x2  }
0xb8: {  	s3 =	sand.u32 $0x4000, s31;
	s1 =	sadd.s32 s1, s30  }
0xb9: {  	s0 =	sor.u32 s3, s0;
	s1 =	sshll.u32 s1, $0x11  }
0xba: {  	s0 =	sor.u32 s1, s0  }
0xbb: {  	s0 =	sadd.s32 $0x8F2B, s0  }
0xbc: {  	[sflag:s0] =	ssyncadd.remote.s32 $0x1  }
0xbd: {  	_ =	sfence.sel $0xFFFF  }
0xbe: {  	[dreg:$0x0] =	wrdreg $0xFFFFFFFF;
	(pc) =	sbr.abs _section_cstart, $3  }
0xbf: {  	[dreg:$0x1] =	wrdreg $0xFFFFFFFF  }
0xc0: {  	_ =	task.clear_ibuf [dreg:s6], $0x2FFFF;
	_ =	strace $0x9FFFFFFF  }
0xc1: {  	(tm) =	ssettm $0x7FFFFFFF  }
tec
execute0_lowered:
.L_overlay_start_1:
0x0: {  	(tag) =	ssettag $0x1  }
0x1: {  	s0 =	srdreg.scid  }
0x2: {  	s5 =	rddreg [dreg:$0x0];
	s2 =	simm.s32 $0x0;
	s9 =	simm.s32 $0xC880  }
0x3: {  	s10 =	simm.s32 $0x1;
	s11 =	simm.s32 $0xF100;
	s4 =	sand.u32 $0x1, s0  }
0x4: {  	s12 =	simm.s32 $0x80;
	s0 =	stileid.u32;
	s1 =	sshll.u32 s4, $0x4  }
0x5: {  	s13 =	simm.s32 $0x400;
	s14 =	simm.s32 $0x0;
	s3 =	sor.u32 s0, s1  }
0x6: {  	[smem:$0x7FF] =	sst s2;
	s7 =	sshll.u32 s0, $0x7;
	s6 =	sshrl.u32 s3, $0x3  }
0x7: {  	s4 =	ssub.s32 $0x2, s4;
	s1 =	rddreg [dreg:$0x1];
	s6 =	smul.u32 $0x50000, s6  }
0x8: {  	s7 =	sand.u32 $0x380, s7;
	_ =	strace $0x8000004D;
	s8 =	smul.u32 $0x50A, s3  }
0x9: {  	s30 =	sshrl.u32 s4, $0x1;
	s3 =	sadd.s32 $0xC800, s5;
	s6 =	sor.u32 s7, s6  }
0xa: {  	s31 =	ssub.s32 s4, s30;
	s29 =	sadd.s32 s8, s5;
	s6 =	sshrl.u32 s6, $0x3  }
0xb: {  	s8 =	simm.s32 $0xA000;
	s4 =	sadd.s32 $0x2600, s29;
	s6 =	sadd.s32 s6, s5  }
0xc: {  	v0 =	vimm.f32 $0.0e+00;
	s7 =	smax.u32 s31, $0x1;
	s5 =	sadd.s32 $0x35C00, s29;
	s6 =	sadd.s32 $0xDC00, s6  }
.LBB2_1:
0xd: {  	[tilespmem:s2], [sflag:$0x1] =	stream.linear.gather [hbm4b:s3+s2], $0xA000, $0x38;
	[tilespmem:$0x19100] =	vst v63  }
0xe: {  	_ = 	snop  }
0xf: {  	[tilespmem:s8], [sflag:$0x1] =	stream.linear.gather [hbm4b:s4+s2], $0x2850, $0x38;
	[tilespmem:$0x19100] =	vst v63  }
0x10: {  	s15 =	simm.s32 $0xF140  }
0x11: {  	[tilespmem:s9], [sflag:$0x1] =	stream.linear.gather [hbm4b:s5+s2], $0x2850, $0x38;
	[tilespmem:$0x19100] =	vst v63  }
0x12: {  	[tilespmem:s15+$0xFFFFFFC0] =	vst v0  }
0x13: {  	[tilespmem:s15+$0x30] =	vst v0  }
0x14: {  	[tilespmem:s15+$0x20] =	vst v0  }
0x15: {  	[tilespmem:s15+$0x10] =	vst v0  }
0x16: {  	[tilespmem:s15+$0x0] =	vst v0  }
0x17: {  	[tilespmem:s15+$0xFFFFFFF0] =	vst v0  }
0x18: {  	s16 =	simm.s32 $0x0;
	[tilespmem:s15+$0xFFFFFFE0] =	vst v0  }
.LBB2_2:
0x19: {  	s16 =	sadd.s32 $0x8, s16;
	[tilespmem:s15+$0xFFFFFFD0] =	vst v0;
	s15 =	sadd.s32 $0x80, s15  }
0x1a: {  	[tilespmem:s15+$0xFFFFFFC0] =	vst v0;
	p0 =	slt.u32 s16, $0x9F8  }
0x1b: {  	[tilespmem:s15+$0x30] =	vst v0  }
.Ltmp0:
0x1c: {  	[tilespmem:s15+$0x20] =	vst v0;
	(pc) =	sbr.rel @p0 .LBB2_2-.Ltmp0, $4  }
0x1d: {  	[tilespmem:s15+$0x10] =	vst v0  }
0x1e: {  	[tilespmem:s15+$0x0] =	vst v0  }
0x1f: {  	[tilespmem:s15+$0xFFFFFFF0] =	vst v0  }
0x20: {  	[tilespmem:s15+$0xFFFFFFE0] =	vst v0  }
0x21: {  	[tilespmem:s15+$0xFFFFFFD0] =	vst v0  }
0x22: {  	_ =	swait.ge [sflag:s10], $0xA000  }
0x23: {  	[sflag:s10] =	ssyncset.done $0x0  }
0x24: {  	[sflag:s10] =	ssyncadd.s32 $0xFFFF6000  }
0x25: {  	_ =	swait.ge [sflag:s10], $0x2850  }
0x26: {  	[sflag:s10] =	ssyncset.done $0x0  }
0x27: {  	[sflag:s10] =	ssyncadd.s32 $0xFFFFD7B0  }
0x28: {  	_ =	swait.ge [sflag:s10], $0x2850  }
0x29: {  	[sflag:s10] =	ssyncset.done $0x0  }
0x2a: {  	s29 =	simm.s32 $0xA020;
	[sflag:s10] =	ssyncadd.s32 $0xFFFFD7B0  }
0x2b: {  	v1 =	vld [tilespmem:s29+$0x10];
	_ =	sdelay $0x1  }
0x2c: {  	v2 =	vld [tilespmem:s29+$0xFFFFFFE0];
	_ =	sdelay $0x1  }
0x2d: {  	v3 =	vld [tilespmem:s29+$0xFFFFFFF0]  }
0x2e: {  	v5 =	vld [tilespmem:s29+$0x0];
	v4 =	vshrl.u32 v1, $0xE;
	_ =	sdelay $0x1  }
0x2f: {  	v6 =	vshrl.u32 v2, $0xE  }
0x30: {  	s30 =	simm.s32 $0xC8A0  }
0x31: {  	v13 =	vld [tilespmem:s30+$0x10];
	v7 =	vshrl.u32 v3, $0xE  }
0x32: {  	v14 =	vshrl.u32 v5, $0xE;
	v8 =	vadd.s32 $0x2800, v7;
	v9 =	vld.idx.msk [tilespmem:v4+s2+$0x0], $0xffff  }
0x33: {  	v10 =	vadd.s32 $0x2800, v4;
	v18 =	vand.u32 $0x7FF80, v8;
	v8 =	vld [tilespmem:s30+$0xFFFFFFE0]  }
0x34: {  	v16 =	vand.u32 $0x3FFF, v1;
	v17 =	vand.u32 $0x7F, v4;
	v10 =	vand.u32 $0x7FF80, v10;
	v15 =	vld.idx.msk [tilespmem:v6+s2+$0x0], $0xffff  }
0x35: {  	v21 =	vadd.s32 $0x2800, v6;
	v10 =	vor.u32 v17, v10  }
0x36: {  	v22 =	vand.u32 $0x3FFF, v2;
	v20 =	vand.u32 $0x7F, v6;
	v21 =	vand.u32 $0x7FF80, v21;
	v23 =	vld.idx.msk [tilespmem:v7+s2+$0x0], $0xffff  }
0x37: {  	v11 =	vand.u32 $0x3FFF, v3;
	v21 =	vor.u32 v20, v21;
	v29 =	vld.idx.msk [tilespmem:v14+s2+$0x0], $0xffff;
	v24 =	vmul.f32 v9, v13  }
0x38: {  	v3 =	vand.u32 $0x7F, v3;
	v26 =	vand.u32 $0x3FFF, v5;
	v1 =	vand.u32 $0x7F, v1;
	v9 =	vld [tilespmem:s30+$0xFFFFFFF0]  }
0x39: {  	v2 =	vand.u32 $0x7F, v2;
	v12 =	vand.u32 $0x7F, v7;
	v15 =	vmul.f32 v15, v8;
	[tilespmem:v16+s11+$0x0] =	vst.idx.add.f32.msk $0xffff, v24  }
0x3a: {  	v19 =	vadd.s32 $0x2800, v14;
	v25 =	vand.u32 $0x7F, v14;
	v28 =	vld.idx.msk [tilespmem:v10+s2+$0x0], $0xffff;
	v10 =	vadd.s32 $0x2800, v16  }
0x3b: {  	v31 =	vadd.s32 $0x5000, v4;
	v18 =	vor.u32 v12, v18;
	[tilespmem:v22+s11+$0x0] =	vst.idx.add.f32.msk $0xffff, v15;
	v30 =	vand.u32 $0x7F80, v10  }
0x3c: {  	v27 =	vadd.s32 $0x2800, v22;
	v31 =	vand.u32 $0x7FF80, v31;
	v21 =	vld.idx.msk [tilespmem:v21+s2+$0x0], $0xffff;
	v30 =	vor.u32 v1, v30  }
0x3d: {  	v27 =	vand.u32 $0x7F80, v27;
	v10 =	vld [tilespmem:s30+$0x0];
	v15 =	vmul.f32 v23, v9;
	v23 =	vor.u32 v17, v31  }
0x3e: {  	v55 =	vadd.s32 $0x5000, v6;
	v33 =	vadd.s32 $0x5000, v7;
	v27 =	vor.u32 v2, v27  }
0x3f: {  	v58 =	vadd.s32 $0x5000, v16;
	v19 =	vand.u32 $0x7FF80, v19;
	[tilespmem:v11+s11+$0x0] =	vst.idx.add.f32.msk $0xffff, v15;
	v15 =	vmul.f32 v28, v13  }
0x40: {  	v56 =	vand.u32 $0x7FF80, v55;
	v19 =	vor.u32 v25, v19;
	v24 =	vadd.s32 $0x2800, v11;
	v18 =	vld.idx.msk [tilespmem:v18+s2+$0x0], $0xffff  }
0x41: {  	v24 =	vand.u32 $0x7F80, v24;
	v28 =	vor.u32 v20, v56;
	v21 =	vmul.f32 v21, v8;
	[tilespmem:v30+s11+$0x0] =	vst.idx.add.f32.msk $0xffff, v15  }
0x42: {  	v57 =	vand.u32 $0x7FF80, v33;
	v29 =	vmul.f32 v29, v10;
	v15 =	vor.u32 v3, v24;
	v23 =	vld.idx.msk [tilespmem:v23+s2+$0x0], $0xffff  }
0x43: {  	v5 =	vand.u32 $0x7F, v5;
	v59 =	vand.u32 $0xFF80, v58;
	v24 =	vor.u32 v12, v57;
	[tilespmem:v27+s11+$0x0] =	vst.idx.add.f32.msk $0xffff, v21  }
0x44: {  	v32 =	vadd.s32 $0x2800, v26;
	v4 =	vadd.s32 $0x7800, v4;
	[tilespmem:v26+s11+$0x0] =	vst.idx.add.f32.msk $0xffff, v29;
	v29 =	vor.u32 v1, v59  }
0x45: {  	v54 =	vand.u32 $0x7F80, v32;
	v4 =	vand.u32 $0x7FF80, v4;
	v19 =	vld.idx.msk [tilespmem:v19+s2+$0x0], $0xffff;
	v18 =	vmul.f32 v18, v9  }
0x46: {  	v61 =	vadd.s32 $0x5000, v14;
	v60 =	vor.u32 v5, v54;
	v4 =	vor.u32 v17, v4;
	v28 =	vld.idx.msk [tilespmem:v28+s2+$0x0], $0xffff  }
0x47: {  	v6 =	vadd.s32 $0x7800, v6;
	v7 =	vadd.s32 $0x7800, v7;
	[tilespmem:v15+s11+$0x0] =	vst.idx.add.f32.msk $0xffff, v18;
	v15 =	vmul.f32 v23, v13  }
0x48: {  	v14 =	vadd.s32 $0x7800, v14;
	v17 =	vand.u32 $0x7FF80, v61;
	v27 =	vadd.s32 $0x5000, v11;
	v24 =	vld.idx.msk [tilespmem:v24+s2+$0x0], $0xffff  }
0x49: {  	s31 =	simm.s32 $0xA060;
	v6 =	vand.u32 $0x7FF80, v6;
	v17 =	vor.u32 v25, v17;
	v23 =	vand.u32 $0xFF80, v27;
	[tilespmem:v29+s11+$0x0] =	vst.idx.add.f32.msk $0xffff, v15  }
0x4a: {  	v21 =	vadd.s32 $0x5000, v22;
	v19 =	vmul.f32 v19, v10;
	v15 =	vor.u32 v3, v23;
	v23 =	vld [tilespmem:s31+$0x0]  }
0x4b: {  	v7 =	vand.u32 $0x7FF80, v7;
	v14 =	vand.u32 $0x7FF80, v14;
	v21 =	vand.u32 $0xFF80, v21;
	v4 =	vld.idx.msk [tilespmem:v4+s2+$0x0], $0xffff  }
0x4c: {  	v14 =	vor.u32 v25, v14;
	v21 =	vor.u32 v2, v21;
	v18 =	vadd.s32 $0x5000, v26;
	[tilespmem:v60+s11+$0x0] =	vst.idx.add.f32.msk $0xffff, v19  }
0x4d: {  	v18 =	vand.u32 $0xFF80, v18;
	v19 =	vor.u32 v20, v6;
	v20 =	vor.u32 v12, v7;
	v12 =	vld [tilespmem:s31+$0x10]  }
0x4e: {  	v6 =	vadd.s32 $0x7800, v22;
	v7 =	vadd.s32 $0x7800, v11;
	v11 =	vadd.s32 $0x7800, v16;
	v22 =	vld [tilespmem:s31+$0xFFFFFFF0]  }
0x4f: {  	v16 =	vld.idx.msk [tilespmem:v17+s2+$0x0], $0xffff;
	v17 =	vadd.s32 $0x7800, v26;
	v11 =	vand.u32 $0xFF80, v11;
	v6 =	vand.u32 $0xFF80, v6  }
0x50: {  	v7 =	vand.u32 $0xFF80, v7;
	v11 =	vor.u32 v1, v11;
	v17 =	vand.u32 $0xFF80, v17  }
0x51: {  	v1 =	vor.u32 v2, v6;
	v2 =	vor.u32 v3, v7;
	v7 =	vmul.f32 v28, v8  }
0x52: {  	v18 =	vor.u32 v5, v18;
	v6 =	vld [tilespmem:s31+$0xFFFFFFE0];
	v24 =	vmul.f32 v24, v9;
	v3 =	vor.u32 v5, v17  }
0x53: {  	[tilespmem:v21+s11+$0x0] =	vst.idx.add.f32.msk $0xffff, v7;
	v17 =	vshrl.u32 v23, $0xE;
	v48 =	vand.u32 $0x3FFF, v23;
	v23 =	vand.u32 $0x7F, v23  }
0x54: {  	[tilespmem:v15+s11+$0x0] =	vst.idx.add.f32.msk $0xffff, v24;
	v25 =	vshrl.u32 v12, $0xE;
	v4 =	vmul.f32 v4, v13;
	v13 =	vshrl.u32 v22, $0xE  }
0x55: {  	v21 =	vand.u32 $0x7F, v22;
	v7 =	vadd.s32 $0x2800, v17;
	v29 =	vand.u32 $0x7F, v17;
	v44 =	vld.idx.msk [tilespmem:v19+s2+$0x0], $0xffff  }
0x56: {  	s15 =	simm.s32 $0xC8E0;
	v31 =	vand.u32 $0x3FFF, v12;
	v38 =	vadd.s32 $0x2800, v48;
	v43 =	vadd.s32 $0x5000, v17;
	v51 =	vld.idx.msk [tilespmem:v20+s2+$0x0], $0xffff  }
0x57: {  	v12 =	vand.u32 $0x7F, v12;
	v5 =	vmul.f32 v16, v10;
	v26 =	vand.u32 $0x7FF80, v7;
	v7 =	vld [tilespmem:s15+$0x10]  }
0x58: {  	v16 =	vand.u32 $0x3FFF, v22;
	[tilespmem:v11+s11+$0x0] =	vst.idx.add.f32.msk $0xffff, v4;
	v11 =	vand.u32 $0x7F, v13;
	v4 =	vadd.s32 $0x2800, v13  }
0x59: {  	v15 =	vshrl.u32 v6, $0xE;
	v28 =	vand.u32 $0x3FFF, v6;
	v42 =	vand.u32 $0x7F, v6;
	v6 =	vld [tilespmem:s15+$0x0]  }
0x5a: {  	v4 =	vand.u32 $0x7FF80, v4;
	v24 =	vadd.s32 $0x2800, v15;
	[tilespmem:v18+s11+$0x0] =	vst.idx.add.f32.msk $0xffff, v5;
	v5 =	vadd.s32 $0x2800, v28  }
0x5b: {  	v22 =	vand.u32 $0x7F, v15;
	v24 =	vand.u32 $0x7FF80, v24;
	v39 =	vand.u32 $0x7F80, v5;
	v27 =	vld.idx.msk [tilespmem:v25+s2+$0x0], $0xffff  }
0x5c: {  	v5 =	vld [tilespmem:s15+$0xFFFFFFF0];
	v18 =	vor.u32 v22, v24;
	v24 =	vor.u32 v11, v4;
	v4 =	vadd.s32 $0x2800, v25  }
0x5d: {  	v63 =	vand.u32 $0x7F, v25;
	v38 =	vand.u32 $0x7F80, v38;
	v62 =	vld.idx.msk [tilespmem:v13+s2+$0x0], $0xffff;
	v4 =	vand.u32 $0x7FF80, v4  }
0x5e: {  	v41 =	vadd.s32 $0x5000, v13;
	v50 =	vadd.s32 $0x2800, v31;
	v34 =	vld.idx.msk [tilespmem:v15+s2+$0x0], $0xffff;
	v35 =	vor.u32 v63, v4  }
0x5f: {  	v20 =	vand.u32 $0x7FF80, v43;
	v52 =	vadd.s32 $0x5000, v25;
	v26 =	vor.u32 v29, v26;
	v4 =	vld [tilespmem:s15+$0xFFFFFFE0]  }
0x60: {  	v36 =	vadd.s32 $0x2800, v16;
	v19 =	vand.u32 $0x7FF80, v41;
	v37 =	vld.idx.msk [tilespmem:v17+s2+$0x0], $0xffff;
	v27 =	vmul.f32 v27, v7  }
0x61: {  	v38 =	vor.u32 v23, v38;
	v53 =	vand.u32 $0x7FF80, v52;
	v56 =	vadd.s32 $0x5000, v16;
	v59 =	vld.idx.msk [tilespmem:v14+s2+$0x0], $0xffff  }
0x62: {  	v57 =	vor.u32 v29, v20;
	v36 =	vand.u32 $0x7F80, v36;
	v30 =	vmul.f32 v62, v5;
	[tilespmem:v31+s11+$0x0] =	vst.idx.add.f32.msk $0xffff, v27  }
0x63: {  	v40 =	vadd.s32 $0x5000, v15;
	v45 =	vor.u32 v11, v19;
	v19 =	vadd.s32 $0x5000, v28;
	v35 =	vld.idx.msk [tilespmem:v35+s2+$0x0], $0xffff  }
0x64: {  	v49 =	vand.u32 $0x7FF80, v40;
	v40 =	vand.u32 $0x7F80, v50;
	v34 =	vmul.f32 v34, v4;
	[tilespmem:v16+s11+$0x0] =	vst.idx.add.f32.msk $0xffff, v30  }
0x65: {  	v20 =	vand.u32 $0xFF80, v56;
	v36 =	vor.u32 v21, v36;
	v40 =	vor.u32 v12, v40;
	v24 =	vld.idx.msk [tilespmem:v24+s2+$0x0], $0xffff  }
0x66: {  	v19 =	vand.u32 $0xFF80, v19;
	v55 =	vmul.f32 v37, v6;
	[tilespmem:v28+s11+$0x0] =	vst.idx.add.f32.msk $0xffff, v34;
	v34 =	vor.u32 v63, v53  }
0x67: {  	v14 =	vadd.s32 $0x7800, v17;
	v19 =	vor.u32 v42, v19;
	v13 =	vadd.s32 $0x7800, v13;
	v54 =	vld.idx.msk [tilespmem:v18+s2+$0x0], $0xffff  }
0x68: {  	v25 =	vadd.s32 $0x7800, v25;
	v14 =	vand.u32 $0x7FF80, v14;
	[tilespmem:v48+s11+$0x0] =	vst.idx.add.f32.msk $0xffff, v55;
	v18 =	vmul.f32 v35, v7  }
0x69: {  	v25 =	vand.u32 $0x7FF80, v25;
	v13 =	vand.u32 $0x7FF80, v13;
	v27 =	vor.u32 v42, v39;
	v62 =	vld.idx.msk [tilespmem:v26+s2+$0x0], $0xffff  }
0x6a: {  	v39 =	vor.u32 v22, v49;
	v24 =	vmul.f32 v24, v5;
	[tilespmem:v40+s11+$0x0] =	vst.idx.add.f32.msk $0xffff, v18;
	v18 =	vadd.s32 $0x5000, v48  }
0x6b: {  	v58 =	vand.u32 $0xFF80, v18;
	v18 =	vor.u32 v21, v20;
	v17 =	vld.idx.msk [tilespmem:v34+s2+$0x0], $0xffff;
	v20 =	vadd.s32 $0x5000, v31  }
0x6c: {  	v15 =	vadd.s32 $0x7800, v15;
	v60 =	vmul.f32 v54, v4;
	v61 =	vand.u32 $0xFF80, v20  }
0x6d: {  	v15 =	vand.u32 $0x7FF80, v15;
	v26 =	vor.u32 v11, v13;
	[tilespmem:v36+s11+$0x0] =	vst.idx.add.f32.msk $0xffff, v24;
	v35 =	vor.u32 v12, v61  }
0x6e: {  	v11 =	vadd.s32 $0x7800, v28;
	[tilespmem:v27+s11+$0x0] =	vst.idx.add.f32.msk $0xffff, v60;
	v27 =	vor.u32 v63, v25;
	v63 =	vmul.f32 v62, v6  }
0x6f: {  	v13 =	vor.u32 v29, v14;
	v14 =	vmul.f32 v44, v8;
	v25 =	vor.u32 v22, v15;
	v22 =	vld.idx.msk [tilespmem:v39+s2+$0x0], $0xffff  }
0x70: {  	v8 =	vmul.f32 v59, v10;
	v15 =	vadd.s32 $0x7800, v16;
	[tilespmem:v38+s11+$0x0] =	vst.idx.add.f32.msk $0xffff, v63;
	v16 =	vmul.f32 v17, v7  }
0x71: {  	v28 =	vand.u32 $0xFF80, v11;
	v11 =	vmul.f32 v51, v9;
	v24 =	vadd.s32 $0x7800, v48;
	v17 =	vld.idx.msk [tilespmem:v45+s2+$0x0], $0xffff  }
0x72: {  	v24 =	vand.u32 $0xFF80, v24;
	v20 =	vor.u32 v23, v58;
	v9 =	vand.u32 $0xFF80, v15;
	[tilespmem:v35+s11+$0x0] =	vst.idx.add.f32.msk $0xffff, v16  }
0x73: {  	v10 =	vor.u32 v21, v9;
	v9 =	vor.u32 v23, v24;
	v15 =	vld.idx.msk [tilespmem:v27+s2+$0x0], $0xffff;
	v27 =	vadd.s32 $0x7800, v31  }
0x74: {  	s16 =	simm.s32 $0x4;
	s17 =	simm.s32 $0xA0A0;
	v16 =	vor.u32 v42, v28;
	v21 =	vmul.f32 v22, v4;
	v22 =	vld.idx.msk [tilespmem:v57+s2+$0x0], $0xffff;
	v23 =	vand.u32 $0xFF80, v27  }
.LBB2_4:
0x75: {  	v27 =	vld [tilespmem:s17+$0x10];
	s16 =	sadd.s32 $0x4, s16;
	v12 =	vor.u32 v12, v23  }
0x76: {  	v24 =	vmul.f32 v17, v5;
	v23 =	vld [tilespmem:s17+$0xFFFFFFF0];
	p0 =	slt.u32 s16, $0x280  }
0x77: {  	v28 =	vld [tilespmem:s17+$0x0]  }
0x78: {  	v7 =	vmul.f32 v15, v7;
	v29 =	vld [tilespmem:s17+$0xFFFFFFE0]  }
0x79: {  	[tilespmem:v19+s11+$0x0] =	vst.idx.add.f32.msk $0xffff, v21  }
0x7a: {  	v19 =	vmul.f32 v22, v6;
	v30 =	vshrl.u32 v27, $0xE;
	[tilespmem:v12+s11+$0x0] =	vst.idx.add.f32.msk $0xffff, v7  }
0x7b: {  	v31 =	vshrl.u32 v23, $0xE;
	v17 =	vand.u32 $0x3FFF, v23;
	v15 =	vand.u32 $0x7F, v23;
	[tilespmem:v18+s11+$0x0] =	vst.idx.add.f32.msk $0xffff, v24  }
0x7c: {  	v24 =	vand.u32 $0x7F, v31;
	v7 =	vadd.s32 $0x2800, v31;
	v18 =	vshrl.u32 v28, $0xE;
	[tilespmem:v20+s11+$0x0] =	vst.idx.add.f32.msk $0xffff, v19  }
0x7d: {  	v19 =	vshrl.u32 v29, $0xE;
	v7 =	vand.u32 $0x7FF80, v7;
	v12 =	vadd.s32 $0x2800, v18;
	v21 =	vld.idx.msk [tilespmem:v25+s2+$0x0], $0xffff  }
0x7e: {  	v25 =	vand.u32 $0x7F, v19;
	v20 =	vadd.s32 $0x2800, v19;
	v12 =	vand.u32 $0x7FF80, v12;
	v22 =	vld.idx.msk [tilespmem:v26+s2+$0x0], $0xffff  }
0x7f: {  	s15 =	sadd.s32 $0x40, s15;
	v32 =	vand.u32 $0x3FFF, v29;
	v33 =	vand.u32 $0x7F, v18;
	v20 =	vand.u32 $0x7FF80, v20;
	v26 =	vld.idx.msk [tilespmem:v30+s2+$0x0], $0xffff  }
0x80: {  	v35 =	vand.u32 $0x3FFF, v28;
	v34 =	vor.u32 v24, v7;
	v20 =	vor.u32 v25, v20;
	v7 =	vld [tilespmem:s15+$0x10]  }
0x81: {  	v36 =	vadd.s32 $0x2800, v32;
	v38 =	vor.u32 v33, v12;
	v12 =	vadd.s32 $0x2800, v30;
	v37 =	vld.idx.msk [tilespmem:v31+s2+$0x0], $0xffff  }
0x82: {  	v23 =	vand.u32 $0x3FFF, v27;
	v40 =	vand.u32 $0x7F, v30;
	v12 =	vand.u32 $0x7FF80, v12;
	v39 =	vld.idx.msk [tilespmem:v19+s2+$0x0], $0xffff  }
0x83: {  	v41 =	vadd.s32 $0x2800, v17;
	v43 =	vadd.s32 $0x2800, v35;
	v12 =	vor.u32 v40, v12;
	v42 =	vld.idx.msk [tilespmem:v18+s2+$0x0], $0xffff  }
0x84: {  	v41 =	vand.u32 $0x7F80, v41;
	v43 =	vand.u32 $0x7F80, v43;
	v36 =	vand.u32 $0x7F80, v36;
	v44 =	vld [tilespmem:s15+$0xFFFFFFE0]  }
0x85: {  	v47 =	vadd.s32 $0x5000, v31;
	v45 =	vadd.s32 $0x5000, v19;
	v46 =	vld [tilespmem:s15+$0xFFFFFFF0];
	v26 =	vmul.f32 v26, v7  }
0x86: {  	v28 =	vand.u32 $0x7F, v28;
	v29 =	vand.u32 $0x7F, v29;
	v49 =	vadd.s32 $0x5000, v18;
	v48 =	vld [tilespmem:s15+$0x0]  }
0x87: {  	v41 =	vor.u32 v15, v41;
	v45 =	vand.u32 $0x7FF80, v45;
	v36 =	vor.u32 v29, v36;
	[tilespmem:v23+s11+$0x0] =	vst.idx.add.f32.msk $0xffff, v26  }
0x88: {  	v43 =	vor.u32 v28, v43;
	v26 =	vand.u32 $0x7FF80, v47;
	v47 =	vand.u32 $0x7FF80, v49;
	v49 =	vld.idx.msk [tilespmem:v12+s2+$0x0], $0xffff  }
0x89: {  	v45 =	vor.u32 v25, v45;
	v12 =	vadd.s32 $0x2800, v23;
	v39 =	vmul.f32 v39, v44;
	v50 =	vld.idx.msk [tilespmem:v13+s2+$0x0], $0xffff  }
0x8a: {  	v13 =	vand.u32 $0x7F80, v12;
	v12 =	vand.u32 $0x7F, v27;
	v27 =	vadd.s32 $0x5000, v30;
	[tilespmem:v1+s11+$0x0] =	vst.idx.add.f32.msk $0xffff, v14;
	v1 =	vmovc v16  }
0x8b: {  	v14 =	vmul.f32 v37, v46;
	v13 =	vor.u32 v12, v13;
	v16 =	vand.u32 $0x7FF80, v27;
	[tilespmem:v32+s11+$0x0] =	vst.idx.add.f32.msk $0xffff, v39  }
0x8c: {  	v37 =	vor.u32 v24, v26;
	v16 =	vor.u32 v40, v16;
	v27 =	vld.idx.msk [tilespmem:v20+s2+$0x0], $0xffff;
	v20 =	vmul.f32 v42, v48  }
0x8d: {  	v26 =	vadd.s32 $0x5000, v32;
	v39 =	vor.u32 v33, v47;
	[tilespmem:v17+s11+$0x0] =	vst.idx.add.f32.msk $0xffff, v14;
	v14 =	vadd.s32 $0x5000, v17  }
0x8e: {  	v26 =	vand.u32 $0xFF80, v26;
	v42 =	vmul.f32 v49, v7;
	[tilespmem:v35+s11+$0x0] =	vst.idx.add.f32.msk $0xffff, v20;
	v20 =	vadd.s32 $0x5000, v35  }
0x8f: {  	v47 =	vadd.s32 $0x7800, v19;
	v14 =	vand.u32 $0xFF80, v14;
	v34 =	vld.idx.msk [tilespmem:v34+s2+$0x0], $0xffff;
	v20 =	vand.u32 $0xFF80, v20  }
0x90: {  	v19 =	vor.u32 v29, v26;
	v26 =	vadd.s32 $0x7800, v31;
	v31 =	vadd.s32 $0x7800, v18;
	[tilespmem:v13+s11+$0x0] =	vst.idx.add.f32.msk $0xffff, v42  }
0x91: {  	v18 =	vor.u32 v15, v14;
	v13 =	vand.u32 $0x7FF80, v47;
	v20 =	vor.u32 v28, v20;
	v14 =	vld.idx.msk [tilespmem:v16+s2+$0x0], $0xffff  }
0x92: {  	v26 =	vand.u32 $0x7FF80, v26;
	v16 =	vmul.f32 v27, v44;
	v27 =	vld.idx.msk [tilespmem:v38+s2+$0x0], $0xffff;
	v38 =	vadd.s32 $0x5000, v23  }
0x93: {  	v30 =	vadd.s32 $0x7800, v30;
	v31 =	vand.u32 $0x7FF80, v31;
	v38 =	vand.u32 $0xFF80, v38;
	[tilespmem:v2+s11+$0x0] =	vst.idx.add.f32.msk $0xffff, v11;
	v2 =	vmovc v10  }
0x94: {  	v25 =	vor.u32 v25, v13;
	v11 =	vand.u32 $0x7FF80, v30;
	[tilespmem:v36+s11+$0x0] =	vst.idx.add.f32.msk $0xffff, v16;
	v10 =	vor.u32 v12, v38  }
0x95: {  	v26 =	vor.u32 v24, v26;
	v16 =	vmul.f32 v34, v46;
	v24 =	vor.u32 v40, v11;
	v30 =	vld.idx.msk [tilespmem:v45+s2+$0x0], $0xffff  }
0x96: {  	v13 =	vor.u32 v33, v31;
	v11 =	vadd.s32 $0x7800, v32;
	v32 =	vadd.s32 $0x7800, v17;
	[tilespmem:v3+s11+$0x0] =	vst.idx.add.f32.msk $0xffff, v8;
	v3 =	vmovc v9  }
0x97: {  	v8 =	vadd.s32 $0x7800, v35;
	v9 =	vmul.f32 v14, v7;
	v14 =	vmul.f32 v21, v4;
	[tilespmem:v41+s11+$0x0] =	vst.idx.add.f32.msk $0xffff, v16  }
.Ltmp1:
0x98: {  	v4 =	vmovc v44;
	v16 =	vand.u32 $0xFF80, v11;
	v27 =	vmul.f32 v27, v48;
	v11 =	vmul.f32 v22, v5;
	v17 =	vld.idx.msk [tilespmem:v37+s2+$0x0], $0xffff;
	(pc) =	sbr.rel @p0 .LBB2_4-.Ltmp1, $4  }
0x99: {  	v21 =	vand.u32 $0xFF80, v32;
	v22 =	vand.u32 $0xFF80, v8;
	v8 =	vmul.f32 v50, v6;
	v5 =	vmovc v46;
	[tilespmem:v10+s11+$0x0] =	vst.idx.add.f32.msk $0xffff, v9  }
0x9a: {  	v16 =	vor.u32 v29, v16;
	v10 =	vor.u32 v15, v21;
	v9 =	vor.u32 v28, v22;
	v15 =	vld.idx.msk [tilespmem:v24+s2+$0x0], $0xffff  }
0x9b: {  	v23 =	vadd.s32 $0x7800, v23;
	v6 =	vmov v48;
	v21 =	vmul.f32 v30, v4;
	[tilespmem:v43+s11+$0x0] =	vst.idx.add.f32.msk $0xffff, v27  }
0x9c: {  	s17 =	sadd.s32 $0x40, s17;
	v23 =	vand.u32 $0xFF80, v23;
	v22 =	vld.idx.msk [tilespmem:v39+s2+$0x0], $0xffff  }
0x9d: {  	_ =	sdelay $0x3  }
0x9e: {  	v17 =	vmul.f32 v17, v5;
	[tilespmem:v19+s11+$0x0] =	vst.idx.add.f32.msk $0xffff, v21  }
0x9f: {  	v54 =	vld.idx.msk [tilespmem:v25+s2+$0x0], $0xffff  }
0xa0: {  	[tilespmem:v18+s11+$0x0] =	vst.idx.add.f32.msk $0xffff, v17;
	v53 =	vmul.f32 v22, v6  }
0xa1: {  	v55 =	vld.idx.msk [tilespmem:v26+s2+$0x0], $0xffff  }
0xa2: {  	v12 =	vor.u32 v12, v23;
	[tilespmem:v20+s11+$0x0] =	vst.idx.add.f32.msk $0xffff, v53  }
0xa3: {  	v13 =	vld.idx.msk [tilespmem:v13+s2+$0x0], $0xffff  }
0xa4: {  	[tilespmem:v1+s11+$0x0] =	vst.idx.add.f32.msk $0xffff, v14  }
0xa5: {  	[tilespmem:v2+s11+$0x0] =	vst.idx.add.f32.msk $0xffff, v11;
	v7 =	vmul.f32 v15, v7  }
0xa6: {  	[tilespmem:v3+s11+$0x0] =	vst.idx.add.f32.msk $0xffff, v8;
	v1 =	vmul.f32 v54, v4  }
0xa7: {  	[tilespmem:v12+s11+$0x0] =	vst.idx.add.f32.msk $0xffff, v7;
	v2 =	vmul.f32 v55, v5  }
0xa8: {  	[tilespmem:v16+s11+$0x0] =	vst.idx.add.f32.msk $0xffff, v1;
	v3 =	vmul.f32 v13, v6  }
0xa9: {  	[tilespmem:v10+s11+$0x0] =	vst.idx.add.f32.msk $0xffff, v2  }
0xaa: {  	[tilespmem:v9+s11+$0x0] =	vst.idx.add.f32.msk $0xffff, v3  }
0xab: {  	v1 =	vld [tilespmem:$0xC840];
	_ =	sdelay $0x4  }
0xac: {  	v2 =	vshrl.u32 v1, $0xE;
	_ =	sdelay $0x3  }
0xad: {  	v3 =	vld [tilespmem:$0xF0C0]  }
0xae: {  	v56 =	vld.idx.msk [tilespmem:v2+s2+$0x0], $0xffff  }
0xaf: {  	v57 =	vadd.s32 $0x2800, v2  }
0xb0: {  	v58 =	vand.u32 $0x3FFF, v1;
	v59 =	vand.u32 $0x7F, v2;
	v5 =	vand.u32 $0x7FF80, v57  }
0xb1: {  	v5 =	vor.u32 v59, v5;
	_ =	sdelay $0x1  }
0xb2: {  	v4 =	vmul.f32 v56, v3;
	_ =	sdelay $0x1  }
0xb3: {  	[tilespmem:v58+s11+$0x0] =	vst.idx.add.f32.msk $0xffff, v4  }
0xb4: {  	v60 =	vadd.s32 $0x2800, v58;
	v4 =	vld.idx.msk [tilespmem:v5+s2+$0x0], $0xffff  }
0xb5: {  	v1 =	vand.u32 $0x7F, v1;
	v61 =	vadd.s32 $0x5000, v2;
	v5 =	vand.u32 $0x7F80, v60  }
0xb6: {  	v8 =	vand.u32 $0x7FF80, v61;
	v5 =	vor.u32 v1, v5  }
0xb7: {  	v8 =	vor.u32 v59, v8;
	_ =	sdelay $0x1  }
0xb8: {  	v4 =	vmul.f32 v4, v3;
	_ =	sdelay $0x1  }
0xb9: {  	[tilespmem:v5+s11+$0x0] =	vst.idx.add.f32.msk $0xffff, v4  }
0xba: {  	v62 =	vadd.s32 $0x5000, v58;
	v4 =	vld.idx.msk [tilespmem:v8+s2+$0x0], $0xffff  }
0xbb: {  	v2 =	vadd.s32 $0x7800, v2;
	v5 =	vand.u32 $0xFF80, v62  }
0xbc: {  	v2 =	vand.u32 $0x7FF80, v2;
	v5 =	vor.u32 v1, v5  }
0xbd: {  	v2 =	vor.u32 v59, v2;
	_ =	sdelay $0x1  }
0xbe: {  	v4 =	vmul.f32 v4, v3;
	_ =	sdelay $0x1  }
0xbf: {  	[tilespmem:v5+s11+$0x0] =	vst.idx.add.f32.msk $0xffff, v4  }
0xc0: {  	v63 =	vadd.s32 $0x7800, v58;
	v2 =	vld.idx.msk [tilespmem:v2+s2+$0x0], $0xffff  }
0xc1: {  	v4 =	vand.u32 $0xFF80, v63  }
0xc2: {  	v1 =	vor.u32 v1, v4;
	_ =	sdelay $0x2  }
0xc3: {  	s14 =	sadd.s32 $0x1, s14;
	v2 =	vmul.f32 v2, v3  }
0xc4: {  	p0 =	sne.s32 s14, s7  }
.Ltmp2:
0xc5: {  	[tilespmem:v1+s11+$0x0] =	vst.idx.add.f32.msk $0xffff, v2;
	(pc) =	sbr.rel @p0 .LBB2_1-.Ltmp2, $4  }
0xc6: {  	[hbm4b:s6+s12] =	stream.strided.scatter [tilespmem:s11], [sflag:$0x1], $0xA000, s13, s12, $0x38;
	[tilespmem:$0x19100] =	vst v63  }
0xc7: {  	_ =	swait.ge [sflag:s10], $0xA000  }
0xc8: {  	[sflag:s10] =	ssyncset.done $0x0  }
0xc9: {  	[sflag:s10] =	ssyncadd.s32 $0xFFFF6000  }
0xca: {  	_ =	sfence.sel $0x180000  }
0xcb: {  	[bflag:$0x0] =	sbarrier.arrive $0xFFFF  }
0xcc: {  	p0 =	sne.s32 s0, $0x0;
	_ =	strace $0x9000004D  }
0xcd: {  	s0 =	sadd.s32 @!p0 $0x100000, s1;
	[bflag:$0x2] =	sbarrier.arrive $0xFFFF  }
0xce: {  	[sflag:s0] =	ssyncadd.tile.s32 @!p0 $0x1;
	_ =	shalt  }
.Lfunc_end2:
_tile_overlayer_lowered:
.L_overlay_start_2:
0xcf: {  	(tag) =	ssettag $0x2  }
0xd0: {  	s0 =	rddreg [dreg:$0x0];
	s2 =	stileid.u32  }
0xd1: {  	s1 =	rddreg [dreg:$0x1];
	p0 =	sne.s32 s2, $0x0  }
0xd2: {  	s3 =	rddreg [dreg:$0x2];
	[bflag:$0x3] =	sbarrier.arrive $0xFFFF;
	s2 =	simm.s32 @!p0 $0x1C02  }
0xd3: {  	[timem:s3], [sflag:s2] =	dma.local @!p0 [hbm:s0], s1  }
0xd4: {  	s0 =	simm.s32 @!p0 $0x2  }
0xd5: {  	_ =	swait.ge @!p0 [sflag:s0], s1  }
0xd6: {  	s1 =	ssub.s32 @!p0 $0x0, s1;
	[sflag:s0] =	ssyncset.done @!p0 $0x0  }
0xd7: {  	[sflag:s0] =	ssyncadd.s32 @!p0 s1  }
0xd8: {  	[bflag:$0x3] =	sbarrier.arrive $0xFFFF  }
0xd9: {  	_ =	shalt  }

// kernel: kernel.19.cloned.1.call-start
scs
__scs_entry_jumppad:
0x0: {  	(pc) =	sbr.rel $0x88, $3  }
0x1: {  	(tag) =	ssettag $0x0;
	lr =	simm.s32 $0x1  }
0x2: {  	[smem:$0x3F97] =	sst lr;
	_ =	strace $0xD0000000  }
0x3: {  	_ = 	snop  }
0x4: {  	_ = 	snop  }
0x5: {  	_ = 	snop  }
0x6: {  	_ = 	snop  }
0x7: {  	_ = 	snop  }
__scs_overlays_trampoline_lowered:
0x8: {  	[smem:$0x3FA6] =	sst s0  }
0x9: {  	[smem:$0x3FA7] =	sst s1  }
0xa: {  	[smem:$0x3FA8] =	sst s2  }
0xb: {  	[smem:$0x3FA9] =	sst s3  }
0xc: {  	[smem:$0x3FAA] =	sst s4  }
0xd: {  	[smem:$0x3FAB] =	sst s5  }
0xe: {  	[smem:$0x3FAC] =	sst s6  }
0xf: {  	[smem:$0x3FAD] =	sst s7  }
0x10: {  	[smem:$0x3FAE] =	sst s8  }
0x11: {  	[smem:$0x3FAF] =	sst s9;
	s0 =	simm.s32 @!p0 $0x0  }
0x12: {  	s1 =	sld [smem:$0x3F95];
	s0 =	simm.s32 @p0 $0x1  }
0x13: {  	[smem:$0x3FB0] =	sst s0;
	s0 =	simm.s32 @!p1 $0x0  }
0x14: {  	s2 =	sld [smem:$0x3F94];
	s0 =	simm.s32 @p1 $0x1  }
0x15: {  	[smem:$0x3FB1] =	sst s0;
	s0 =	simm.s32 @!p2 $0x0  }
0x16: {  	s3 =	sld [smem:$0x3FDB];
	s0 =	simm.s32 @p2 $0x1  }
0x17: {  	s4 =	simm.s32 $0x1BF5;
	[smem:$0x3FB3] =	sst s0  }
0x18: {  	s0 =	sld [smem:$0x3F96];
	_ =	swait.ge [sflag:s4], $0x0  }
0x19: {  	s7 =	sld [smem:$0x3F97]  }
0x1a: {  	s8 =	sadd.s32 $0xFFFFE003, lr  }
0x1b: {  	s9 =	sadd.s32 $0xFFFFFEF7, lr;
	s5 =	simm.s32 $0xFFFFFFFF;
	p2 =	slt.u32 s8, $0xFFFFF086  }
0x1c: {  	p1 =	slt.u32 s9, $0xF7A;
	s5 =	simm.s32 @!p2 $0x0  }
0x1d: {  	s5 =	simm.s32 @p1 $0x1;
	p0 =	seq.s32 s7, s2  }
0x1e: {  	s7 =	smul.u32 @!p0 $0xF7A, s2;
	p2 =	seq.s32 @!p0 s5, $0x0  }
0x1f: {  	s9 =	smul.u32 $0xF7A, s1;
	s8 =	simm.s32 @!p0 $0x1BF5;
	p2 =	por !p2, p0  }
0x20: {  	[sflag:s8] =	ssyncset.s32 @!p0 $0xFFFFF086;
	s6 =	sadd.s32 @!p0 s3, s7;
	s7 =	simm.s32 @!p0 $0x108  }
0x21: {  	s3 =	sadd.s32 s3, s9;
	s6 =	sadd.s32 @!p0 $0x88, s6;
	s7 =	simm.s32 @p2 $0x1082  }
0x22: {  	[simem:s7], [sflag:s8] =	dma.local @!p0 [hbm:s6], $0xF7A  }
0x23: {  	s9 =	sor.u32 $0xD0000000, s2;
	s6 =	simm.s32 $0x108;
	_ =	swait.ge @!p0 [sflag:s8], $0x0  }
0x24: {  	s3 =	sadd.s32 $0x88, s3;
	s6 =	simm.s32 @!p1 $0x1082;
	[sflag:s4] =	ssyncset.s32 $0xFFFFF086  }
0x25: {  	[simem:s6], [sflag:s4] =	dma.local [hbm:s3], $0xF7A  }
0x26: {  	[smem:$0x3F97] =	sst s1;
	(tag) =	ssettag s2;
	_ =	strace s9  }
0x27: {  	s1 =	sld [smem:$0x3FA7]  }
0x28: {  	s2 =	sld [smem:$0x3FA8]  }
0x29: {  	s4 =	sld [smem:$0x3FAA]  }
0x2a: {  	p0 =	seq.s32 s5, $0x0;
	s5 =	sld [smem:$0x3FAB]  }
0x2b: {  	s6 =	sld [smem:$0x3FAC]  }
0x2c: {  	s7 =	sld [smem:$0x3FAD]  }
0x2d: {  	s3 =	simm.s32 $0x108;
	s8 =	sld [smem:$0x3FAE]  }
0x2e: {  	s3 =	simm.s32 @!p0 $0x1082;
	s9 =	sld [smem:$0x3FAF]  }
0x2f: {  	lr =	sadd.s32 s0, s3;
	s0 =	sld [smem:$0x3FA6]  }
0x30: {  	s3 =	sld [smem:$0x3FA9]  }
0x31: {  	[smem:$0x3FB2] =	sst s10  }
0x32: {  	s10 =	sld [smem:$0x3FB0];
	_ =	sdelay $0x3  }
0x33: {  	p0 =	seq.s32 s10, $0x1;
	s10 =	sld [smem:$0x3FB2];
	_ =	sdelay $0x3  }
0x34: {  	[smem:$0x3FB2] =	sst s10  }
0x35: {  	s10 =	sld [smem:$0x3FB1];
	_ =	sdelay $0x3  }
0x36: {  	p1 =	seq.s32 s10, $0x1;
	s10 =	sld [smem:$0x3FB2];
	_ =	sdelay $0x3  }
0x37: {  	[smem:$0x3FB2] =	sst s10  }
0x38: {  	s10 =	sld [smem:$0x3FB3]  }
0x39: {  	_ = 	snop;
	(pc) =	sbr.ind lr, $3  }
0x3a: {  	_ = 	snop  }
0x3b: {  	_ = 	snop  }
0x3c: {  	p2 =	seq.s32 s10, $0x1;
	s10 =	sld [smem:$0x3FB2]  }
0x3d: {  	_ =	shalt  }
0x3e: {  	_ =	shalt  }
0x3f: {  	_ =	shalt  }
0x40: {  	_ =	shalt  }
0x41: {  	_ =	shalt  }
0x42: {  	_ =	shalt  }
0x43: {  	_ =	shalt  }
0x44: {  	_ =	shalt  }
0x45: {  	_ =	shalt  }
0x46: {  	_ =	shalt  }
0x47: {  	_ =	shalt  }
0x48: {  	_ =	shalt  }
0x49: {  	_ =	shalt  }
0x4a: {  	_ =	shalt  }
0x4b: {  	_ =	shalt  }
0x4c: {  	_ =	shalt  }
0x4d: {  	_ =	shalt  }
0x4e: {  	_ =	shalt  }
0x4f: {  	_ =	shalt  }
0x50: {  	_ =	shalt  }
0x51: {  	_ =	shalt  }
0x52: {  	_ =	shalt  }
0x53: {  	_ =	shalt  }
0x54: {  	_ =	shalt  }
0x55: {  	_ =	shalt  }
0x56: {  	_ =	shalt  }
0x57: {  	_ =	shalt  }
0x58: {  	_ =	shalt  }
0x59: {  	_ =	shalt  }
0x5a: {  	_ =	shalt  }
0x5b: {  	_ =	shalt  }
0x5c: {  	_ =	shalt  }
0x5d: {  	_ =	shalt  }
0x5e: {  	_ =	shalt  }
0x5f: {  	_ =	shalt  }
0x60: {  	_ =	shalt  }
0x61: {  	_ =	shalt  }
0x62: {  	_ =	shalt  }
0x63: {  	_ =	shalt  }
0x64: {  	_ =	shalt  }
0x65: {  	_ =	shalt  }
0x66: {  	_ =	shalt  }
0x67: {  	_ =	shalt  }
0x68: {  	_ =	shalt  }
0x69: {  	_ =	shalt  }
0x6a: {  	_ =	shalt  }
0x6b: {  	_ =	shalt  }
0x6c: {  	_ =	shalt  }
0x6d: {  	_ =	shalt  }
0x6e: {  	_ =	shalt  }
0x6f: {  	_ =	shalt  }
0x70: {  	_ =	shalt  }
0x71: {  	_ =	shalt  }
0x72: {  	_ =	shalt  }
0x73: {  	_ =	shalt  }
0x74: {  	_ =	shalt  }
0x75: {  	_ =	shalt  }
0x76: {  	_ =	shalt  }
0x77: {  	_ =	shalt  }
0x78: {  	_ =	shalt  }
0x79: {  	_ =	shalt  }
0x7a: {  	_ =	shalt  }
0x7b: {  	_ =	shalt  }
0x7c: {  	_ =	shalt  }
0x7d: {  	_ =	shalt  }
0x7e: {  	_ =	shalt  }
0x7f: {  	_ =	shalt  }
0x80: {  	_ =	shalt  }
0x81: {  	_ =	shalt  }
0x82: {  	_ =	shalt  }
0x83: {  	_ =	shalt  }
0x84: {  	_ =	shalt  }
0x85: {  	_ =	shalt  }
0x86: {  	_ =	shalt  }
0x87: {  	_ =	shalt  }
.Lfunc_end0:
.L_simem_size_0:
called_computation.3_lowered:
.L_overlay_start_0:
0x88: {  	s2 =	sld [smem:$0x3FD9]  }
0x89: {  	s3 =	sld [smem:$0x3FFE];
	_ =	sdelay $0x1  }
0x8a: {  	s1 =	srdreg.scid  }
0x8b: {  	s0 =	sand.u32 $0x1, s1  }
0x8c: {  	s14 =	sshll.u32 s0, $0xA;
	s2 =	sadd.s32 s3, s2  }
0x8d: {  	s2 =	sadd.s32 s2, s14  }
0x8e: {  	[smem:$0x3FBE] =	sst s2  }
0x8f: {  	_ = 	snop  }
0x90: {  	s2 =	sld [smem:$0x3FD0];
	_ =	sdelay $0x2  }
0x91: {  	s15 =	simm.s32 $0xA;
	s4 =	simm.s32 $0x10  }
0x92: {  	[smem:s4], [sflag:s15] =	dma.local [hbm:s2], $0x1  }
0x93: {  	_ =	swait.eq [sflag:s15], $0x1  }
0x94: {  	[sflag:s15] =	ssyncset.done $0x0  }
0x95: {  	[sflag:s15] =	ssyncadd.s32 $0xFFFFFFFF  }
0x96: {  	s16 =	sld [smem:$0x10];
	(tm) =	ssettm $0x1  }
0x97: {  	s17 =	sld [smem:$0x3FFB];
	_ =	sdelay $0x3  }
0x98: {  	_ =	strace s17  }
0x99: {  	s3 =	sld [smem:$0x3FFC];
	_ =	sdelay $0x3  }
0x9a: {  	_ =	strace s3  }
0x9b: {  	s3 =	sld [smem:$0x3FFD];
	_ =	sdelay $0x3  }
0x9c: {  	_ =	strace s3  }
0x9d: {  	_ =	strace $0x8FFFFFFF  }
0x9e: {  	s18 =	sld [smem:$0x3FDB];
	_ =	sdelay $0x1  }
0x9f: {  	s19 =	simm.s32 $_scs_section_size  }
0xa0: {  	s5 =	simm.s32 $_size__tile_overlayer_lowered;
	s6 =	simm.s32 $_tile_overlayer_lowered  }
0xa1: {  	s22 =	simm.s32 $0x1BFF;
	s21 =	sshll.u32 s6, $0x1;
	s3 =	sadd.s32 s19, s18  }
0xa2: {  	s7 =	simm.s32 $0x0;
	s20 =	sshll.u32 s5, $0x1;
	s5 =	sadd.s32 s21, s3  }
0xa3: {  	[timem:s7], [sflag:s22] =	dma.local [hbm:s5], s20  }
0xa4: {  	_ =	swait.ge [sflag:s22], s20  }
0xa5: {  	s4 =	ssub.s32 $0x0, s20;
	[sflag:s22] =	ssyncset.done $0x0  }
0xa6: {  	[sflag:s22] =	ssyncadd.s32 s4;
	_ =	sdelay $0x1  }
0xa7: {  	s23 =	simm.s32 $0x1B8B  }
0xa8: {  	_ =	swait.ge [sflag:s23], $0x1  }
0xa9: {  	[sflag:s23] =	ssyncset.done $0x0  }
0xaa: {  	s25 =	simm.s32 $0x1B8E;
	s24 =	sld [smem:$0x3FFE];
	[sflag:s23] =	ssyncadd.s32 $0xFFFFFFFF  }
0xab: {  	s26 =	simm.s32 $execute0_lowered;
	[smem:$0x3FD2] =	sst s25  }
0xac: {  	s5 =	sshll.u32 s26, $0x1;
	_ =	strace $0x8000004F;
	[dreg:$0x1] =	wrdreg $0xFFFFFFFF  }
0xad: {  	s28 =	simm.s32 $_size_execute0_lowered;
	s3 =	sadd.s32 s3, s5;
	[dreg:$0x0] =	wrdreg $0x0  }
0xae: {  	s5 =	sshll.u32 s28, $0x1;
	[dreg:$0x2] =	wrdreg s3  }
0xaf: {  	[dreg:$0x3] =	wrdreg s5  }
0xb0: {  	[dreg:$0x4] =	wrdreg $0xC0  }
0xb1: {  	_ =	task [dreg:s7], $0x5FFFF  }
0xb2: {  	[dreg:$0x1] =	wrdreg $0xFFFFFFFF  }
0xb3: {  	[dreg:$0x0] =	wrdreg $0x60  }
0xb4: {  	[dreg:$0x2] =	wrdreg s16  }
0xb5: {  	[dreg:$0x3] =	wrdreg s24  }
0xb6: {  	[dreg:$0x4] =	wrdreg $0x9  }
0xb7: {  	_ =	task.clear_ibuf [dreg:s7], $0x5FFFF;
	_ =	strace $0x9000004F  }
0xb8: {  	s29 =	simm.s32 $0x9;
	_ =	strace $0x80000051  }
0xb9: {  	_ =	swait.ge [sflag:s29], $0x1  }
0xba: {  	[sflag:s29] =	ssyncadd.s32 $0xFFFFFFFF  }
0xbb: {  	_ =	strace $0x90000051  }
0xbc: {  	_ =	sfence  }
0xbd: {  	s30 =	sld [smem:$0x0];
	_ =	sdelay $0x2  }
0xbe: {  	s31 =	sshll.u32 s1, $0xD;
	s1 =	sshrl.u32 s1, $0x2  }
0xbf: {  	s3 =	sand.u32 $0x4000, s31;
	s1 =	sadd.s32 s1, s30  }
0xc0: {  	s0 =	sor.u32 s3, s0;
	s1 =	sshll.u32 s1, $0x11  }
0xc1: {  	s0 =	sor.u32 s1, s0  }
0xc2: {  	s0 =	sadd.s32 $0x8F2B, s0  }
0xc3: {  	[sflag:s0] =	ssyncadd.remote.s32 $0x1  }
0xc4: {  	_ =	sfence.sel $0xFFFF  }
0xc5: {  	[dreg:$0x0] =	wrdreg $0xFFFFFFFF;
	(pc) =	sbr.abs _section_cstart, $3  }
0xc6: {  	[dreg:$0x1] =	wrdreg $0xFFFFFFFF  }
0xc7: {  	_ =	task.clear_ibuf [dreg:s7], $0x2FFFF;
	_ =	strace $0x9FFFFFFF  }
0xc8: {  	(tm) =	ssettm $0x7FFFFFFF  }
0xc9: {  	_ =	shalt  }
tec
execute0_lowered:
.L_overlay_start_1:
0x0: {  	(tag) =	ssettag $0x1  }
0x1: {  	s2 =	rddreg [dreg:$0x0]  }
0x2: {  	s0 =	srdreg.scid;
	s6 =	rddreg [dreg:$0x1];
	s3 =	simm.s32 $0x0  }
0x3: {  	s9 =	simm.s32 $0x7880;
	s10 =	simm.s32 $0x1;
	s4 =	sand.u32 $0x1, s0  }
0x4: {  	s11 =	simm.s32 $0xA100;
	s0 =	stileid.u32;
	s1 =	sshll.u32 s4, $0x4  }
0x5: {  	s12 =	simm.s32 $0x80;
	s13 =	simm.s32 $0x400;
	s5 =	sor.u32 s0, s1  }
0x6: {  	s14 =	simm.s32 $0x0;
	[smem:$0x7FF] =	sst s3;
	s1 =	sshrl.u32 s5, $0x3  }
0x7: {  	s8 =	sshll.u32 s0, $0x7;
	s4 =	ssub.s32 $0x2, s4;
	s7 =	smul.u32 $0x28000, s1  }
0x8: {  	s8 =	sand.u32 $0x380, s8;
	s31 =	sshrl.u32 s4, $0x1;
	s5 =	smul.u32 $0x50A, s5  }
0x9: {  	s1 =	rddreg [dreg:$0x2];
	_ =	strace $0x80000050;
	s7 =	sor.u32 s8, s7  }
0xa: {  	s5 =	sadd.s32 s5, s6;
	s8 =	simm.s32 $0x5000;
	s7 =	sshrl.u32 s7, $0x3  }
0xb: {  	s6 =	sadd.s32 s7, s6;
	s7 =	ssub.s32 s4, s31;
	s4 =	sadd.s32 $0x2600, s5  }
0xc: {  	v0 =	vimm.f32 $0.0e+00;
	s5 =	sadd.s32 $0x35C00, s5;
	s6 =	sadd.s32 $0xC800, s6;
	s7 =	smax.u32 s7, $0x1  }
.LBB2_1:
0xd: {  	[tilespmem:s3], [sflag:$0x1] =	stream.linear.gather [hbm4b:s2+s3], $0x5000, $0x38;
	[tilespmem:$0xF100] =	vst v63  }
0xe: {  	_ = 	snop  }
0xf: {  	[tilespmem:s8], [sflag:$0x1] =	stream.linear.gather [hbm4b:s4+s3], $0x2850, $0x38;
	[tilespmem:$0xF100] =	vst v63  }
0x10: {  	s15 =	simm.s32 $0xA140  }
0x11: {  	[tilespmem:s9], [sflag:$0x1] =	stream.linear.gather [hbm4b:s5+s3], $0x2850, $0x38;
	[tilespmem:$0xF100] =	vst v63  }
0x12: {  	[tilespmem:s15+$0xFFFFFFC0] =	vst v0  }
0x13: {  	[tilespmem:s15+$0x30] =	vst v0  }
0x14: {  	[tilespmem:s15+$0x20] =	vst v0  }
0x15: {  	[tilespmem:s15+$0x10] =	vst v0  }
0x16: {  	[tilespmem:s15+$0x0] =	vst v0  }
0x17: {  	[tilespmem:s15+$0xFFFFFFF0] =	vst v0  }
0x18: {  	s16 =	simm.s32 $0x0;
	[tilespmem:s15+$0xFFFFFFE0] =	vst v0  }
.LBB2_2:
0x19: {  	s16 =	sadd.s32 $0x8, s16;
	[tilespmem:s15+$0xFFFFFFD0] =	vst v0;
	s15 =	sadd.s32 $0x80, s15  }
0x1a: {  	[tilespmem:s15+$0xFFFFFFC0] =	vst v0;
	p0 =	slt.u32 s16, $0x4F8  }
0x1b: {  	[tilespmem:s15+$0x30] =	vst v0  }
.Ltmp0:
0x1c: {  	[tilespmem:s15+$0x20] =	vst v0;
	(pc) =	sbr.rel @p0 .LBB2_2-.Ltmp0, $4  }
0x1d: {  	[tilespmem:s15+$0x10] =	vst v0  }
0x1e: {  	[tilespmem:s15+$0x0] =	vst v0  }
0x1f: {  	[tilespmem:s15+$0xFFFFFFF0] =	vst v0  }
0x20: {  	[tilespmem:s15+$0xFFFFFFE0] =	vst v0  }
0x21: {  	[tilespmem:s15+$0xFFFFFFD0] =	vst v0  }
0x22: {  	_ =	swait.ge [sflag:s10], $0x5000  }
0x23: {  	[sflag:s10] =	ssyncset.done $0x0  }
0x24: {  	[sflag:s10] =	ssyncadd.s32 $0xFFFFB000  }
0x25: {  	_ =	swait.ge [sflag:s10], $0x2850  }
0x26: {  	[sflag:s10] =	ssyncset.done $0x0  }
0x27: {  	[sflag:s10] =	ssyncadd.s32 $0xFFFFD7B0  }
0x28: {  	_ =	swait.ge [sflag:s10], $0x2850  }
0x29: {  	[sflag:s10] =	ssyncset.done $0x0  }
0x2a: {  	s29 =	simm.s32 $0x5020;
	[sflag:s10] =	ssyncadd.s32 $0xFFFFD7B0  }
0x2b: {  	v1 =	vld [tilespmem:s29+$0x10]  }
0x2c: {  	v3 =	vld [tilespmem:s29+$0xFFFFFFF0];
	_ =	sdelay $0x1  }
0x2d: {  	v2 =	vld [tilespmem:s29+$0xFFFFFFE0];
	_ =	sdelay $0x1  }
0x2e: {  	v4 =	vshrl.u32 v1, $0xE  }
0x2f: {  	v5 =	vld [tilespmem:s29+$0x0];
	v7 =	vshrl.u32 v3, $0xE  }
0x30: {  	s30 =	simm.s32 $0x78A0  }
0x31: {  	v10 =	vld [tilespmem:s30+$0x10];
	v6 =	vshrl.u32 v2, $0xE  }
0x32: {  	v13 =	vld [tilespmem:s30+$0xFFFFFFE0]  }
0x33: {  	v11 =	vadd.s32 $0x2800, v4;
	v8 =	vld.idx.msk [tilespmem:v4+s3+$0x0], $0xffff  }
0x34: {  	v9 =	vshrl.u32 v5, $0xE;
	v11 =	vand.u32 $0x7FF80, v11;
	v4 =	vand.u32 $0x7F, v4;
	v14 =	vld.idx.msk [tilespmem:v7+s3+$0x0], $0xffff  }
0x35: {  	v1 =	vand.u32 $0x3FFF, v1;
	v4 =	vor.u32 v4, v11;
	v11 =	vld [tilespmem:s30+$0xFFFFFFF0]  }
0x36: {  	v12 =	vld.idx.msk [tilespmem:v6+s3+$0x0], $0xffff  }
0x37: {  	s31 =	simm.s32 $0x5060;
	v16 =	vld [tilespmem:s30+$0x0];
	v3 =	vand.u32 $0x3FFF, v3  }
0x38: {  	v17 =	vld [tilespmem:s31+$0x10];
	v2 =	vand.u32 $0x3FFF, v2;
	v8 =	vmul.f32 v8, v10  }
0x39: {  	v15 =	vld.idx.msk [tilespmem:v9+s3+$0x0], $0xffff  }
0x3a: {  	v14 =	vmul.f32 v14, v11;
	[tilespmem:v1+s11+$0x0] =	vst.idx.add.f32.msk $0xffff, v8  }
0x3b: {  	v8 =	vmul.f32 v12, v13;
	v4 =	vld.idx.msk [tilespmem:v4+s3+$0x0], $0xffff  }
0x3c: {  	v5 =	vand.u32 $0x3FFF, v5;
	v12 =	vand.u32 $0x7F, v7;
	v7 =	vadd.s32 $0x2800, v7;
	[tilespmem:v3+s11+$0x0] =	vst.idx.add.f32.msk $0xffff, v14  }
0x3d: {  	v26 =	vadd.s32 $0x2800, v3;
	v1 =	vadd.s32 $0x2800, v1;
	v7 =	vand.u32 $0x7FF80, v7;
	[tilespmem:v2+s11+$0x0] =	vst.idx.add.f32.msk $0xffff, v8  }
0x3e: {  	v14 =	vand.u32 $0x7F, v9;
	v8 =	vadd.s32 $0x2800, v6;
	v7 =	vor.u32 v12, v7;
	v12 =	vld [tilespmem:s31+$0xFFFFFFE0]  }
0x3f: {  	s15 =	simm.s32 $0x78E0;
	v18 =	vld [tilespmem:s31+$0xFFFFFFF0];
	v9 =	vadd.s32 $0x2800, v9;
	v6 =	vand.u32 $0x7F, v6;
	v8 =	vand.u32 $0x7FF80, v8  }
0x40: {  	v3 =	vld [tilespmem:s15+$0xFFFFFFE0];
	v6 =	vor.u32 v6, v8;
	v8 =	vand.u32 $0x7FF80, v9;
	v9 =	vmul.f32 v15, v16  }
0x41: {  	v8 =	vor.u32 v14, v8;
	v4 =	vmul.f32 v4, v10;
	v10 =	vld [tilespmem:s31+$0x0]  }
0x42: {  	[tilespmem:v5+s11+$0x0] =	vst.idx.add.f32.msk $0xffff, v9  }
0x43: {  	v14 =	vld.idx.msk [tilespmem:v7+s3+$0x0], $0xffff;
	v19 =	vshrl.u32 v12, $0xE  }
0x44: {  	[tilespmem:v1+s11+$0x0] =	vst.idx.add.f32.msk $0xffff, v4;
	v1 =	vshrl.u32 v17, $0xE  }
0x45: {  	v4 =	vshrl.u32 v18, $0xE;
	v6 =	vld.idx.msk [tilespmem:v6+s3+$0x0], $0xffff  }
0x46: {  	v15 =	vld.idx.msk [tilespmem:v8+s3+$0x0], $0xffff  }
0x47: {  	v8 =	vld [tilespmem:s15+$0x10]  }
0x48: {  	v23 =	vadd.s32 $0x2800, v2;
	v17 =	vand.u32 $0x3FFF, v17;
	v7 =	vadd.s32 $0x2800, v1;
	v24 =	vld.idx.msk [tilespmem:v19+s3+$0x0], $0xffff  }
0x49: {  	v2 =	vadd.s32 $0x2800, v4;
	v7 =	vand.u32 $0x7FF80, v7;
	v9 =	vshrl.u32 v10, $0xE;
	v20 =	vld.idx.msk [tilespmem:v1+s3+$0x0], $0xffff  }
0x4a: {  	v2 =	vand.u32 $0x7FF80, v2;
	v21 =	vld.idx.msk [tilespmem:v4+s3+$0x0], $0xffff;
	v1 =	vand.u32 $0x7F, v1;
	v4 =	vand.u32 $0x7F, v4  }
0x4b: {  	v11 =	vmul.f32 v14, v11;
	v25 =	vor.u32 v1, v7;
	v7 =	vor.u32 v4, v2;
	v2 =	vld [tilespmem:s15+$0xFFFFFFF0]  }
0x4c: {  	v4 =	vld [tilespmem:s15+$0x0]  }
0x4d: {  	v6 =	vmul.f32 v6, v13;
	[tilespmem:v26+s11+$0x0] =	vst.idx.add.f32.msk $0xffff, v11  }
0x4e: {  	v12 =	vand.u32 $0x3FFF, v12;
	v1 =	vadd.s32 $0x2800, v5;
	v22 =	vld.idx.msk [tilespmem:v9+s3+$0x0], $0xffff;
	v5 =	vmul.f32 v20, v8  }
0x4f: {  	v18 =	vand.u32 $0x3FFF, v18;
	v10 =	vand.u32 $0x3FFF, v10;
	v62 =	vadd.s32 $0x2800, v9;
	[tilespmem:v23+s11+$0x0] =	vst.idx.add.f32.msk $0xffff, v6  }
0x50: {  	v13 =	vand.u32 $0x7FF80, v62;
	[tilespmem:v17+s11+$0x0] =	vst.idx.add.f32.msk $0xffff, v5;
	v5 =	vand.u32 $0x7F, v19;
	v19 =	vadd.s32 $0x2800, v19  }
0x51: {  	v9 =	vand.u32 $0x7F, v9;
	v63 =	vmul.f32 v24, v3;
	v14 =	vld.idx.msk [tilespmem:v25+s3+$0x0], $0xffff;
	v19 =	vand.u32 $0x7FF80, v19  }
0x52: {  	v9 =	vor.u32 v9, v13;
	v13 =	vor.u32 v5, v19;
	v19 =	vmul.f32 v21, v2  }
0x53: {  	v11 =	vmul.f32 v15, v16;
	v16 =	vadd.s32 $0x2800, v17;
	v6 =	vadd.s32 $0x2800, v18;
	[tilespmem:v12+s11+$0x0] =	vst.idx.add.f32.msk $0xffff, v63  }
0x54: {  	s16 =	simm.s32 $0x4;
	s17 =	simm.s32 $0x50A0;
	v15 =	vmul.f32 v22, v4;
	v5 =	vadd.s32 $0x2800, v12;
	v12 =	vadd.s32 $0x2800, v10;
	[tilespmem:v18+s11+$0x0] =	vst.idx.add.f32.msk $0xffff, v19  }
.LBB2_4:
0x55: {  	v17 =	vld [tilespmem:s17+$0x10];
	s16 =	sadd.s32 $0x4, s16  }
0x56: {  	v8 =	vmul.f32 v14, v8;
	v18 =	vld [tilespmem:s17+$0xFFFFFFF0];
	p0 =	slt.u32 s16, $0x280  }
0x57: {  	v14 =	vld [tilespmem:s17+$0x0]  }
0x58: {  	[tilespmem:v16+s11+$0x0] =	vst.idx.add.f32.msk $0xffff, v8  }
0x59: {  	v8 =	vld [tilespmem:s17+$0xFFFFFFE0]  }
0x5a: {  	v16 =	vshrl.u32 v17, $0xE;
	[tilespmem:v10+s11+$0x0] =	vst.idx.add.f32.msk $0xffff, v15  }
0x5b: {  	v15 =	vshrl.u32 v18, $0xE;
	v18 =	vand.u32 $0x3FFF, v18;
	v19 =	vld.idx.msk [tilespmem:v13+s3+$0x0], $0xffff  }
0x5c: {  	v13 =	vand.u32 $0x7F, v15;
	v10 =	vadd.s32 $0x2800, v15;
	v20 =	vshrl.u32 v14, $0xE;
	v21 =	vld.idx.msk [tilespmem:v7+s3+$0x0], $0xffff  }
0x5d: {  	v7 =	vand.u32 $0x7FF80, v10;
	v22 =	vand.u32 $0x7F, v20;
	v10 =	vadd.s32 $0x2800, v20;
	v23 =	vld.idx.msk [tilespmem:v9+s3+$0x0], $0xffff  }
0x5e: {  	v24 =	vshrl.u32 v8, $0xE;
	v25 =	vand.u32 $0x3FFF, v8;
	v8 =	vand.u32 $0x7FF80, v10;
	[tilespmem:v1+s11+$0x0] =	vst.idx.add.f32.msk $0xffff, v11;
	v1 =	vmovc v12  }
0x5f: {  	s15 =	sadd.s32 $0x40, s15;
	v10 =	vand.u32 $0x3FFF, v14;
	v11 =	vand.u32 $0x7F, v24;
	v9 =	vadd.s32 $0x2800, v24;
	v14 =	vld.idx.msk [tilespmem:v16+s3+$0x0], $0xffff  }
0x60: {  	v7 =	vor.u32 v13, v7;
	v12 =	vand.u32 $0x7FF80, v9;
	v9 =	vor.u32 v22, v8;
	v8 =	vld [tilespmem:s15+$0x10]  }
0x61: {  	v19 =	vmul.f32 v19, v3;
	v13 =	vor.u32 v11, v12;
	v15 =	vld.idx.msk [tilespmem:v15+s3+$0x0], $0xffff;
	v11 =	vadd.s32 $0x2800, v16  }
0x62: {  	v3 =	vand.u32 $0x7F, v16;
	v16 =	vand.u32 $0x3FFF, v17;
	v20 =	vld.idx.msk [tilespmem:v20+s3+$0x0], $0xffff;
	v11 =	vand.u32 $0x7FF80, v11  }
0x63: {  	v21 =	vmul.f32 v21, v2;
	v17 =	vld.idx.msk [tilespmem:v24+s3+$0x0], $0xffff;
	v22 =	vor.u32 v3, v11;
	v11 =	vmul.f32 v23, v4  }
0x64: {  	v12 =	vadd.s32 $0x2800, v10;
	v23 =	vadd.s32 $0x2800, v25;
	v24 =	vadd.s32 $0x2800, v18;
	v3 =	vld [tilespmem:s15+$0xFFFFFFE0]  }
0x65: {  	v2 =	vld [tilespmem:s15+$0xFFFFFFF0];
	v14 =	vmul.f32 v14, v8  }
0x66: {  	v4 =	vld [tilespmem:s15+$0x0]  }
0x67: {  	[tilespmem:v16+s11+$0x0] =	vst.idx.add.f32.msk $0xffff, v14  }
.Ltmp1:
0x68: {  	v14 =	vld.idx.msk [tilespmem:v22+s3+$0x0], $0xffff;
	(pc) =	sbr.rel @p0 .LBB2_4-.Ltmp1, $4  }
0x69: {  	v17 =	vmul.f32 v17, v3;
	[tilespmem:v5+s11+$0x0] =	vst.idx.add.f32.msk $0xffff, v19;
	v5 =	vmov v23  }
0x6a: {  	v19 =	vmul.f32 v15, v2;
	[tilespmem:v6+s11+$0x0] =	vst.idx.add.f32.msk $0xffff, v21;
	v6 =	vmov v24  }
0x6b: {  	v16 =	vadd.s32 $0x2800, v16;
	[tilespmem:v25+s11+$0x0] =	vst.idx.add.f32.msk $0xffff, v17;
	v15 =	vmul.f32 v20, v4  }
0x6c: {  	s17 =	sadd.s32 $0x40, s17;
	[tilespmem:v18+s11+$0x0] =	vst.idx.add.f32.msk $0xffff, v19  }
0x6d: {  	_ =	sdelay $0x3  }
0x6e: {  	[tilespmem:v10+s11+$0x0] =	vst.idx.add.f32.msk $0xffff, v15  }
0x6f: {  	v61 =	vld.idx.msk [tilespmem:v13+s3+$0x0], $0xffff  }
0x70: {  	v7 =	vld.idx.msk [tilespmem:v7+s3+$0x0], $0xffff  }
0x71: {  	v9 =	vld.idx.msk [tilespmem:v9+s3+$0x0], $0xffff;
	_ =	sdelay $0x1  }
0x72: {  	v8 =	vmul.f32 v14, v8  }
0x73: {  	[tilespmem:v1+s11+$0x0] =	vst.idx.add.f32.msk $0xffff, v11;
	v3 =	vmul.f32 v61, v3  }
0x74: {  	[tilespmem:v16+s11+$0x0] =	vst.idx.add.f32.msk $0xffff, v8;
	v1 =	vmul.f32 v7, v2  }
0x75: {  	v2 =	vmul.f32 v9, v4;
	[tilespmem:v5+s11+$0x0] =	vst.idx.add.f32.msk $0xffff, v3  }
0x76: {  	[tilespmem:v6+s11+$0x0] =	vst.idx.add.f32.msk $0xffff, v1  }
0x77: {  	[tilespmem:v12+s11+$0x0] =	vst.idx.add.f32.msk $0xffff, v2  }
0x78: {  	v1 =	vld [tilespmem:$0x7840];
	_ =	sdelay $0x4  }
0x79: {  	v2 =	vshrl.u32 v1, $0xE;
	_ =	sdelay $0x3  }
0x7a: {  	v3 =	vld [tilespmem:$0xA0C0]  }
0x7b: {  	v62 =	vld.idx.msk [tilespmem:v2+s3+$0x0], $0xffff  }
0x7c: {  	v63 =	vadd.s32 $0x2800, v2  }
0x7d: {  	v1 =	vand.u32 $0x3FFF, v1;
	v5 =	vand.u32 $0x7FF80, v63;
	v2 =	vand.u32 $0x7F, v2  }
0x7e: {  	v2 =	vor.u32 v2, v5;
	_ =	sdelay $0x1  }
0x7f: {  	v4 =	vmul.f32 v62, v3;
	_ =	sdelay $0x1  }
0x80: {  	[tilespmem:v1+s11+$0x0] =	vst.idx.add.f32.msk $0xffff, v4  }
0x81: {  	v2 =	vld.idx.msk [tilespmem:v2+s3+$0x0], $0xffff;
	_ =	sdelay $0x1  }
0x82: {  	v1 =	vadd.s32 $0x2800, v1;
	_ =	sdelay $0x2  }
0x83: {  	s14 =	sadd.s32 $0x1, s14;
	v2 =	vmul.f32 v2, v3  }
0x84: {  	p0 =	sne.s32 s14, s7  }
.Ltmp2:
0x85: {  	[tilespmem:v1+s11+$0x0] =	vst.idx.add.f32.msk $0xffff, v2;
	(pc) =	sbr.rel @p0 .LBB2_1-.Ltmp2, $4  }
0x86: {  	[hbm4b:s6+s12] =	stream.strided.scatter [tilespmem:s11], [sflag:$0x1], $0x5000, s13, s12, $0x38;
	[tilespmem:$0xF100] =	vst v63  }
0x87: {  	_ =	swait.ge [sflag:s10], $0x5000  }
0x88: {  	[sflag:s10] =	ssyncset.done $0x0  }
0x89: {  	[sflag:s10] =	ssyncadd.s32 $0xFFFFB000  }
0x8a: {  	_ =	sfence.sel $0x180000  }
0x8b: {  	[bflag:$0x0] =	sbarrier.arrive $0xFFFF  }
0x8c: {  	p0 =	sne.s32 s0, $0x0;
	_ =	strace $0x90000050  }
0x8d: {  	s0 =	sadd.s32 @!p0 $0x100000, s1;
	[bflag:$0x2] =	sbarrier.arrive $0xFFFF  }
0x8e: {  	[sflag:s0] =	ssyncadd.tile.s32 @!p0 $0x1;
	_ =	shalt  }
.Lfunc_end2:
_tile_overlayer_lowered:
.L_overlay_start_2:
0x8f: {  	(tag) =	ssettag $0x2  }
0x90: {  	s0 =	rddreg [dreg:$0x0];
	s2 =	stileid.u32  }
0x91: {  	s1 =	rddreg [dreg:$0x1];
	p0 =	sne.s32 s2, $0x0  }
0x92: {  	s3 =	rddreg [dreg:$0x2];
	[bflag:$0x3] =	sbarrier.arrive $0xFFFF;
	s2 =	simm.s32 @!p0 $0x1C02  }
0x93: {  	[timem:s3], [sflag:s2] =	dma.local @!p0 [hbm:s0], s1  }
0x94: {  	s0 =	simm.s32 @!p0 $0x2  }
0x95: {  	_ =	swait.ge @!p0 [sflag:s0], s1  }
0x96: {  	s1 =	ssub.s32 @!p0 $0x0, s1;
	[sflag:s0] =	ssyncset.done @!p0 $0x0  }
0x97: {  	[sflag:s0] =	ssyncadd.s32 @!p0 s1  }
0x98: {  	[bflag:$0x3] =	sbarrier.arrive $0xFFFF  }
0x99: {  	_ =	shalt  }

</sc_bundles>
